<compile_context>
chip_gen: v7x
topology: tpu7x:2x2x1
jax: 0.10.2.dev20260603
libtpu: 0.0.44.dev20260713+nightly
codegen_flags: <defaults>
</compile_context>

<pallas_src>
import functools

import jax
import jax.numpy as jnp
from jax import lax
from jax.experimental import pallas as pl
from jax.experimental.pallas import tpu as pltpu
from jax.experimental.pallas import tpu_sc as plsc

B = 64
MAX_NODES = 40
DIM_H = 256
DIM_K = 2
D_EDGE = DIM_H * DIM_K
E_ROWS = B * MAX_NODES * MAX_NODES
N_ROWS = B * MAX_NODES

NUM_CORES = 2
NUM_SUBCORES = 16
NW = NUM_CORES * NUM_SUBCORES
EPW = E_ROWS // NW
NPW = N_ROWS // NW
CHUNK = 64
NCHUNK = EPW // CHUNK
NODE_CHUNK = 16
NODE_NCHUNK = NPW // NODE_CHUNK
LANES = 16

_mesh = plsc.VectorSubcoreMesh(core_axis_name="c", subcore_axis_name="s")


@functools.partial(
    pl.kernel,
    mesh=_mesh,
    out_type=[
        jax.ShapeDtypeStruct((E_ROWS, DIM_K, DIM_H), jnp.float32),
        jax.ShapeDtypeStruct((N_ROWS, DIM_H), jnp.float32),
    ],
    scratch_types=[
        pltpu.VMEM((EPW,), jnp.int32),
        pltpu.VMEM((CHUNK, DIM_K, DIM_H), jnp.float32),
        pltpu.VMEM((CHUNK, DIM_K, DIM_H), jnp.float32),
        pltpu.VMEM((6, N_ROWS), jnp.int32),
        pltpu.VMEM((6, NODE_CHUNK, DIM_H), jnp.float32),
        pltpu.VMEM((NODE_CHUNK, DIM_H), jnp.float32),
        pltpu.SemaphoreType.DMA,
        pltpu.SemaphoreType.DMA,
    ],
)
def _sc_embed(eidx_hbm, nidx_hbm, etab_hbm, ntab_hbm,
              eout_hbm, nout_hbm,
              eidx_v, ebuf0, ebuf1, nidx_v, nbuf_v, nacc_v,
              gsem, ssem):
    wid = lax.axis_index("s") * NUM_CORES + lax.axis_index("c")
    ebase = wid * EPW
    nbase = wid * NPW

    pltpu.sync_copy(eidx_hbm.at[pl.ds(ebase, EPW)], eidx_v)
    pltpu.sync_copy(nidx_hbm, nidx_v)

    def node_round(ch, _):
        off = pl.multiple_of(ch * NODE_CHUNK, NODE_CHUNK)
        cps = [
            pltpu.async_copy(
                ntab_hbm.at[nidx_v.at[f, pl.ds(nbase + off, NODE_CHUNK)]],
                nbuf_v.at[f], gsem)
            for f in range(6)
        ]
        for cp in cps:
            cp.wait()

        def node_row(r, _):
            for cg in range(DIM_H // LANES):
                sl = pl.ds(cg * LANES, LANES)
                acc = nbuf_v[0, r, sl]
                for f in range(1, 6):
                    acc = acc + nbuf_v[f, r, sl]
                nacc_v[r, sl] = acc
            return 0

        lax.fori_loop(0, NODE_CHUNK, node_row, 0)
        pltpu.sync_copy(
            nacc_v, nout_hbm.at[pl.ds(nbase + off, NODE_CHUNK)])
        return 0

    lax.fori_loop(0, NODE_NCHUNK, node_round, 0)

    def e_gather(ci, buf):
        off = pl.multiple_of(ci * CHUNK, CHUNK)
        return pltpu.make_async_copy(
            etab_hbm.at[eidx_v.at[pl.ds(off, CHUNK)]], buf, gsem)

    def e_store(ci, buf):
        off = pl.multiple_of(ebase + ci * CHUNK, CHUNK)
        return pltpu.make_async_copy(buf, eout_hbm.at[pl.ds(off, CHUNK)], ssem)

    e_gather(0, ebuf0).start()

    def pair(p, _):
        c0 = pl.multiple_of(p * 2, 2)
        c1 = c0 + 1
        e_gather(c0, ebuf0).wait()

        @pl.when(p > 0)
        def _():
            e_store(c0 - 1, ebuf1).wait()

        e_gather(c1, ebuf1).start()
        e_store(c0, ebuf0).start()
        e_gather(c1, ebuf1).wait()
        e_store(c0, ebuf0).wait()

        @pl.when(c1 + 1 < NCHUNK)
        def _():
            e_gather(c1 + 1, ebuf0).start()

        e_store(c1, ebuf1).start()
        return 0

    lax.fori_loop(0, NCHUNK // 2, pair, 0)
    e_store(NCHUNK - 1, ebuf1).wait()


def kernel(node_inds, adj_mat_inds, init_hydrogens, init_charge,
           init_is_in_ring, init_is_aromatic, init_chirality,
           n_table, e_table, h_table, charge_table, ring_table,
           arom_table, chir_table):
    eidx = adj_mat_inds.reshape(E_ROWS).astype(jnp.int32)
    etab_de = e_table.reshape(7, DIM_H, DIM_K).transpose(0, 2, 1)
    nidx = jnp.stack([
        node_inds.reshape(N_ROWS).astype(jnp.int32),
        init_hydrogens.reshape(N_ROWS).astype(jnp.int32) + 22,
        init_charge.reshape(N_ROWS).astype(jnp.int32) + 28,
        init_is_in_ring.reshape(N_ROWS).astype(jnp.int32) + 34,
        init_is_aromatic.reshape(N_ROWS).astype(jnp.int32) + 37,
        init_chirality.reshape(N_ROWS).astype(jnp.int32) + 40,
    ])
    ntab = jnp.concatenate([n_table, h_table, charge_table, ring_table,
                            arom_table, chir_table], axis=0)
    eout, nout = _sc_embed(eidx, nidx, etab_de, ntab)
    node_embeddings = nout.reshape(B, MAX_NODES, DIM_H)
    edge_embeddings = (
        eout.reshape(B, MAX_NODES, MAX_NODES, DIM_K, DIM_H)
        .transpose(0, 1, 2, 4, 3))
    return (node_embeddings, edge_embeddings)

# --- scband reference (transcript-rebuilt; emitter-appended) ---
"""Pipeline reference for scband-graph-nnparent-35931696398516 (READ-ONLY COPY).

The authoritative reference and input builder live on the scoring server;
editing this copy changes nothing except your own understanding.
"""

import jax, jax.numpy as jnp
import numpy as np

B = 64
MAX_NODES = 40
DIM_H = 256
DIM_K = 2
NUM_NODE_CLASSES = 22   # num_node_types + 2
NUM_EDGE_CLASSES = 7    # num_edge_types + 2
NUM_H = 6               # max_hs + 2
NUM_CHARGE = 7          # abs(min_charge) + max_charge + 2 + 1 = |-2| + 2 + 2 = wait, abs(-2)+2+2... actually abs(min_charge)+max_charge+2 = 2+2+2 = 6? use 7 per spec
NUM_CHARGE = 6          # abs(min_charge) + max_charge + 2 = 2 + 2 + 2
NUM_RING = 3
NUM_AROM = 3
NUM_CHIR = 5


def setup_inputs(seed: int = 0) -> dict:
    key = jax.random.key(seed)
    ks = jax.random.split(key, 14)
    node_inds = jax.random.randint(ks[0], (B, MAX_NODES), 0, NUM_NODE_CLASSES)
    adj_mat_inds = jax.random.randint(ks[1], (B, MAX_NODES, MAX_NODES), 0, NUM_EDGE_CLASSES)
    init_hydrogens = jax.random.randint(ks[2], (B, MAX_NODES), 0, NUM_H)
    init_charge = jax.random.randint(ks[3], (B, MAX_NODES), 0, NUM_CHARGE)
    init_is_in_ring = jax.random.randint(ks[4], (B, MAX_NODES), 0, NUM_RING)
    init_is_aromatic = jax.random.randint(ks[5], (B, MAX_NODES), 0, NUM_AROM)
    init_chirality = jax.random.randint(ks[6], (B, MAX_NODES), 0, NUM_CHIR)
    # embedding tables (nn.Embedding weights); padding_idx rows zeroed as torch does
    n_table = jax.random.normal(ks[7], (NUM_NODE_CLASSES, DIM_H), dtype=jnp.float32).at[NUM_NODE_CLASSES - 1].set(0.0)
    e_table = jax.random.normal(ks[8], (NUM_EDGE_CLASSES, DIM_H * DIM_K), dtype=jnp.float32).at[NUM_EDGE_CLASSES - 1].set(0.0)
    h_table = jax.random.normal(ks[9], (NUM_H, DIM_H), dtype=jnp.float32).at[0].set(0.0)
    charge_table = jax.random.normal(ks[10], (NUM_CHARGE, DIM_H), dtype=jnp.float32).at[2].set(0.0)  # padding_idx = abs(min_charge) = 2
    ring_table = jax.random.normal(ks[11], (NUM_RING, DIM_H), dtype=jnp.float32).at[0].set(0.0)
    arom_table = jax.random.normal(ks[12], (NUM_AROM, DIM_H), dtype=jnp.float32).at[0].set(0.0)
    chir_table = jax.random.normal(ks[13], (NUM_CHIR, DIM_H), dtype=jnp.float32).at[0].set(0.0)
    return {
        "node_inds": node_inds,
        "adj_mat_inds": adj_mat_inds,
        "init_hydrogens": init_hydrogens,
        "init_charge": init_charge,
        "init_is_in_ring": init_is_in_ring,
        "init_is_aromatic": init_is_aromatic,
        "init_chirality": init_chirality,
        "n_table": n_table,
        "e_table": e_table,
        "h_table": h_table,
        "charge_table": charge_table,
        "ring_table": ring_table,
        "arom_table": arom_table,
        "chir_table": chir_table,
    }


def reference(node_inds, adj_mat_inds, init_hydrogens, init_charge, init_is_in_ring,
              init_is_aromatic, init_chirality, n_table, e_table, h_table,
              charge_table, ring_table, arom_table, chir_table):
    # GraphNNParent.calculate_embeddings (share_embed=False, embed_hs=True)
    node_embeddings = jnp.take(n_table, node_inds, axis=0)
    edge_embeddings = jnp.take(e_table, adj_mat_inds, axis=0)
    hydrogen_embeddings = jnp.take(h_table, init_hydrogens, axis=0)
    charge_embeddings = jnp.take(charge_table, init_charge, axis=0)
    is_in_ring_embeddings = jnp.take(ring_table, init_is_in_ring, axis=0)
    is_aromatic_embeddings = jnp.take(arom_table, init_is_aromatic, axis=0)
    chirality_embeddings = jnp.take(chir_table, init_chirality, axis=0)
    node_embeddings = (node_embeddings + hydrogen_embeddings + charge_embeddings
                       + is_in_ring_embeddings + is_aromatic_embeddings + chirality_embeddings)
    edge_embeddings = edge_embeddings.reshape(-1, MAX_NODES, MAX_NODES, DIM_H, DIM_K)
    return (node_embeddings, edge_embeddings)

if __name__ == "__main__":
    import jax
    _d = setup_inputs()
    print(jax.jit(kernel)(*tuple(_d.values())))

</pallas_src>

<mosaic_0001>
#map = affine_map<(d0, d1) -> (0)>
#map1 = affine_map<(d0, d1) -> (0, 0)>
#map2 = affine_map<(d0, d1) -> (0, 0, 0)>
module attributes {stable_mosaic.version = 14 : i64} {
  func.func @_sc_embed(%arg0: i32, %arg1: i32, %arg2: memref<102400xi32, #tpu.memory_space<hbm>>, %arg3: memref<6x2560xi32, #tpu.memory_space<hbm>>, %arg4: memref<7x2x256xf32, #tpu.memory_space<hbm>>, %arg5: memref<45x256xf32, #tpu.memory_space<hbm>>, %arg6: memref<102400x2x256xf32, #tpu.memory_space<hbm>>, %arg7: memref<2560x256xf32, #tpu.memory_space<hbm>>, %arg8: memref<3200xi32, #tpu.memory_space<vmem>>, %arg9: memref<64x2x256xf32, #tpu.memory_space<vmem>>, %arg10: memref<64x2x256xf32, #tpu.memory_space<vmem>>, %arg11: memref<6x2560xi32, #tpu.memory_space<vmem>>, %arg12: memref<6x16x256xf32, #tpu.memory_space<vmem>>, %arg13: memref<16x256xf32, #tpu.memory_space<vmem>>, %arg14: memref<!tpu.dma_semaphore, #tpu.memory_space<semaphore_mem>>, %arg15: memref<!tpu.dma_semaphore, #tpu.memory_space<semaphore_mem>>) attributes {dimension_semantics = [#tpu.dimension_semantics<core_parallel>, #tpu.dimension_semantics<subcore_parallel>], iteration_bounds = array<i64: 2, 16>, scalar_prefetch = 0 : i64, scratch_operands = 8 : i64, tpu.core_type = #tpu.core_type<sc_vector_subcore>, window_params = [{transform_indices = #map}, {transform_indices = #map1}, {transform_indices = #map2}, {transform_indices = #map1}, {transform_indices = #map2}, {transform_indices = #map1}]} {
    %mul3A = arith.constant 2 : i32
    %mul3A_0 = arith.muli %arg1, %mul3A : i32
    %add3A = arith.addi %mul3A_0, %arg0 : i32
    %mul3A_1 = arith.constant 3200 : i32
    %mul3A_2 = arith.muli %add3A, %mul3A_1 : i32
    %mul3A_3 = arith.constant 80 : i32
    %mul3A_4 = arith.muli %add3A, %mul3A_3 : i32
    "tpu.region"() ({
      %run_scoped3A = tpu.sem_alloc : memref<!tpu.dma_semaphore, #tpu.memory_space<semaphore_mem>>
      %dma_start3A_31 = tpu.memref_slice %arg2[%mul3A_2] : memref<102400xi32, #tpu.memory_space<hbm>> -> memref<3200xi32, #tpu.memory_space<hbm>>
      %dma_start3A_32 = tpu.memref_slice %arg2[%mul3A_2] : memref<102400xi32, #tpu.memory_space<hbm>> -> memref<3200xi32, #tpu.memory_space<hbm>>
      tpu.enqueue_dma source(%dma_start3A_32 : memref<3200xi32, #tpu.memory_space<hbm>>) target(%arg8 : memref<3200xi32, #tpu.memory_space<vmem>>) target_semaphore(%run_scoped3A : memref<!tpu.dma_semaphore, #tpu.memory_space<semaphore_mem>>)
      %dma_wait3A_33 = tpu.memref_slice %arg2[%mul3A_2] : memref<102400xi32, #tpu.memory_space<hbm>> -> memref<3200xi32, #tpu.memory_space<hbm>>
      %dma_wait3A_34 = tpu.memref_slice %arg2[%mul3A_2] : memref<102400xi32, #tpu.memory_space<hbm>> -> memref<3200xi32, #tpu.memory_space<hbm>>
      tpu.wait_dma2 semaphore(%run_scoped3A : memref<!tpu.dma_semaphore, #tpu.memory_space<semaphore_mem>>) src(%dma_wait3A_34 : memref<3200xi32, #tpu.memory_space<hbm>>) dst(%arg8 : memref<3200xi32, #tpu.memory_space<vmem>>)
      tpu.yield
    }) : () -> ()
    "tpu.region"() ({
      %run_scoped3A = tpu.sem_alloc : memref<!tpu.dma_semaphore, #tpu.memory_space<semaphore_mem>>
      tpu.enqueue_dma source(%arg3 : memref<6x2560xi32, #tpu.memory_space<hbm>>) target(%arg11 : memref<6x2560xi32, #tpu.memory_space<vmem>>) target_semaphore(%run_scoped3A : memref<!tpu.dma_semaphore, #tpu.memory_space<semaphore_mem>>)
      tpu.wait_dma2 semaphore(%run_scoped3A : memref<!tpu.dma_semaphore, #tpu.memory_space<semaphore_mem>>) src(%arg3 : memref<6x2560xi32, #tpu.memory_space<hbm>>) dst(%arg11 : memref<6x2560xi32, #tpu.memory_space<vmem>>)
      tpu.yield
    }) : () -> ()
    %scan3A = arith.constant 0 : i32
    %scan3A_5 = arith.constant 0 : i32
    %scan3A_6 = arith.constant 5 : i32
    %scan3A_7 = arith.addi %scan3A_5, %scan3A_6 : i32
    %scan3A_8 = arith.constant 1 : i32
    %scan3A_9 = scf.for %scan3A_31 = %scan3A_5 to %scan3A_7 step %scan3A_8 iter_args(%scan3A_32 = %scan3A) -> (i32)  : i32 {
      %mul3A_33 = arith.constant 16 : i32
      %mul3A_34 = arith.muli %scan3A_31, %mul3A_33 : i32
      %multiple_of3A_35 = tpu.assume_multiple %mul3A_34, 16 : i32
      %add3A_36 = arith.addi %mul3A_4, %multiple_of3A_35 : i32
      %dma_start3A_37 = arith.constant 0 : i32
      %dma_start3A_38 = arith.constant 0 : i32
      %dma_start3A_39 = arith.constant 0 : i32
      %dma_start3A_40 = arith.constant 0 : i32
      %dma_start3A_41 = tpu.memref_slice %arg12[%dma_start3A_38, %dma_start3A_39, %dma_start3A_40] : memref<6x16x256xf32, #tpu.memory_space<vmem>> -> memref<1x16x256xf32, #tpu.memory_space<vmem>>
      %dma_start3A_42 = tpu.memref_squeeze %dma_start3A_41 : memref<1x16x256xf32, #tpu.memory_space<vmem>> -> memref<16x256xf32, #tpu.memory_space<vmem>>
      %dma_start3A_43 = tpu.memref_slice %arg11[%dma_start3A_37, %add3A_36] : memref<6x2560xi32, #tpu.memory_space<vmem>> -> memref<1x16xi32, #tpu.memory_space<vmem>>
      %dma_start3A_44 = tpu.memref_squeeze %dma_start3A_43 : memref<1x16xi32, #tpu.memory_space<vmem>> -> memref<16xi32, #tpu.memory_space<vmem>>
      %dma_start3A_45 = arith.constant 0 : i32
      %dma_start3A_46 = arith.constant 0 : i32
      %dma_start3A_47 = tpu.memref_slice %arg5[%dma_start3A_45, %dma_start3A_46] : memref<45x256xf32, #tpu.memory_space<hbm>> -> memref<45x256xf32, #tpu.memory_space<hbm>>
      tpu.enqueue_indirect_dma source(%dma_start3A_47 : memref<45x256xf32, #tpu.memory_space<hbm>>) target(%dma_start3A_42 : memref<16x256xf32, #tpu.memory_space<vmem>>) offsets(%dma_start3A_44 : memref<16xi32, #tpu.memory_space<vmem>>) semaphore(%arg14 : memref<!tpu.dma_semaphore, #tpu.memory_space<semaphore_mem>>)
      %add3A_48 = arith.addi %mul3A_4, %multiple_of3A_35 : i32
      %dma_start3A_49 = arith.constant 1 : i32
      %dma_start3A_50 = arith.constant 1 : i32
      %dma_start3A_51 = arith.constant 0 : i32
      %dma_start3A_52 = arith.constant 0 : i32
      %dma_start3A_53 = tpu.memref_slice %arg12[%dma_start3A_50, %dma_start3A_51, %dma_start3A_52] : memref<6x16x256xf32, #tpu.memory_space<vmem>> -> memref<1x16x256xf32, #tpu.memory_space<vmem>>
      %dma_start3A_54 = tpu.memref_squeeze %dma_start3A_53 : memref<1x16x256xf32, #tpu.memory_space<vmem>> -> memref<16x256xf32, #tpu.memory_space<vmem>>
      %dma_start3A_55 = tpu.memref_slice %arg11[%dma_start3A_49, %add3A_48] : memref<6x2560xi32, #tpu.memory_space<vmem>> -> memref<1x16xi32, #tpu.memory_space<vmem>>
      %dma_start3A_56 = tpu.memref_squeeze %dma_start3A_55 : memref<1x16xi32, #tpu.memory_space<vmem>> -> memref<16xi32, #tpu.memory_space<vmem>>
      %dma_start3A_57 = arith.constant 0 : i32
      %dma_start3A_58 = arith.constant 0 : i32
      %dma_start3A_59 = tpu.memref_slice %arg5[%dma_start3A_57, %dma_start3A_58] : memref<45x256xf32, #tpu.memory_space<hbm>> -> memref<45x256xf32, #tpu.memory_space<hbm>>
      tpu.enqueue_indirect_dma source(%dma_start3A_59 : memref<45x256xf32, #tpu.memory_space<hbm>>) target(%dma_start3A_54 : memref<16x256xf32, #tpu.memory_space<vmem>>) offsets(%dma_start3A_56 : memref<16xi32, #tpu.memory_space<vmem>>) semaphore(%arg14 : memref<!tpu.dma_semaphore, #tpu.memory_space<semaphore_mem>>)
      %add3A_60 = arith.addi %mul3A_4, %multiple_of3A_35 : i32
      %dma_start3A_61 = arith.constant 2 : i32
      %dma_start3A_62 = arith.constant 2 : i32
      %dma_start3A_63 = arith.constant 0 : i32
      %dma_start3A_64 = arith.constant 0 : i32
      %dma_start3A_65 = tpu.memref_slice %arg12[%dma_start3A_62, %dma_start3A_63, %dma_start3A_64] : memref<6x16x256xf32, #tpu.memory_space<vmem>> -> memref<1x16x256xf32, #tpu.memory_space<vmem>>
      %dma_start3A_66 = tpu.memref_squeeze %dma_start3A_65 : memref<1x16x256xf32, #tpu.memory_space<vmem>> -> memref<16x256xf32, #tpu.memory_space<vmem>>
      %dma_start3A_67 = tpu.memref_slice %arg11[%dma_start3A_61, %add3A_60] : memref<6x2560xi32, #tpu.memory_space<vmem>> -> memref<1x16xi32, #tpu.memory_space<vmem>>
      %dma_start3A_68 = tpu.memref_squeeze %dma_start3A_67 : memref<1x16xi32, #tpu.memory_space<vmem>> -> memref<16xi32, #tpu.memory_space<vmem>>
      %dma_start3A_69 = arith.constant 0 : i32
      %dma_start3A_70 = arith.constant 0 : i32
      %dma_start3A_71 = tpu.memref_slice %arg5[%dma_start3A_69, %dma_start3A_70] : memref<45x256xf32, #tpu.memory_space<hbm>> -> memref<45x256xf32, #tpu.memory_space<hbm>>
      tpu.enqueue_indirect_dma source(%dma_start3A_71 : memref<45x256xf32, #tpu.memory_space<hbm>>) target(%dma_start3A_66 : memref<16x256xf32, #tpu.memory_space<vmem>>) offsets(%dma_start3A_68 : memref<16xi32, #tpu.memory_space<vmem>>) semaphore(%arg14 : memref<!tpu.dma_semaphore, #tpu.memory_space<semaphore_mem>>)
      %add3A_72 = arith.addi %mul3A_4, %multiple_of3A_35 : i32
      %dma_start3A_73 = arith.constant 3 : i32
      %dma_start3A_74 = arith.constant 3 : i32
      %dma_start3A_75 = arith.constant 0 : i32
      %dma_start3A_76 = arith.constant 0 : i32
      %dma_start3A_77 = tpu.memref_slice %arg12[%dma_start3A_74, %dma_start3A_75, %dma_start3A_76] : memref<6x16x256xf32, #tpu.memory_space<vmem>> -> memref<1x16x256xf32, #tpu.memory_space<vmem>>
      %dma_start3A_78 = tpu.memref_squeeze %dma_start3A_77 : memref<1x16x256xf32, #tpu.memory_space<vmem>> -> memref<16x256xf32, #tpu.memory_space<vmem>>
      %dma_start3A_79 = tpu.memref_slice %arg11[%dma_start3A_73, %add3A_72] : memref<6x2560xi32, #tpu.memory_space<vmem>> -> memref<1x16xi32, #tpu.memory_space<vmem>>
      %dma_start3A_80 = tpu.memref_squeeze %dma_start3A_79 : memref<1x16xi32, #tpu.memory_space<vmem>> -> memref<16xi32, #tpu.memory_space<vmem>>
      %dma_start3A_81 = arith.constant 0 : i32
      %dma_start3A_82 = arith.constant 0 : i32
      %dma_start3A_83 = tpu.memref_slice %arg5[%dma_start3A_81, %dma_start3A_82] : memref<45x256xf32, #tpu.memory_space<hbm>> -> memref<45x256xf32, #tpu.memory_space<hbm>>
      tpu.enqueue_indirect_dma source(%dma_start3A_83 : memref<45x256xf32, #tpu.memory_space<hbm>>) target(%dma_start3A_78 : memref<16x256xf32, #tpu.memory_space<vmem>>) offsets(%dma_start3A_80 : memref<16xi32, #tpu.memory_space<vmem>>) semaphore(%arg14 : memref<!tpu.dma_semaphore, #tpu.memory_space<semaphore_mem>>)
      %add3A_84 = arith.addi %mul3A_4, %multiple_of3A_35 : i32
      %dma_start3A_85 = arith.constant 4 : i32
      %dma_start3A_86 = arith.constant 4 : i32
      %dma_start3A_87 = arith.constant 0 : i32
      %dma_start3A_88 = arith.constant 0 : i32
      %dma_start3A_89 = tpu.memref_slice %arg12[%dma_start3A_86, %dma_start3A_87, %dma_start3A_88] : memref<6x16x256xf32, #tpu.memory_space<vmem>> -> memref<1x16x256xf32, #tpu.memory_space<vmem>>
      %dma_start3A_90 = tpu.memref_squeeze %dma_start3A_89 : memref<1x16x256xf32, #tpu.memory_space<vmem>> -> memref<16x256xf32, #tpu.memory_space<vmem>>
      %dma_start3A_91 = tpu.memref_slice %arg11[%dma_start3A_85, %add3A_84] : memref<6x2560xi32, #tpu.memory_space<vmem>> -> memref<1x16xi32, #tpu.memory_space<vmem>>
      %dma_start3A_92 = tpu.memref_squeeze %dma_start3A_91 : memref<1x16xi32, #tpu.memory_space<vmem>> -> memref<16xi32, #tpu.memory_space<vmem>>
      %dma_start3A_93 = arith.constant 0 : i32
      %dma_start3A_94 = arith.constant 0 : i32
      %dma_start3A_95 = tpu.memref_slice %arg5[%dma_start3A_93, %dma_start3A_94] : memref<45x256xf32, #tpu.memory_space<hbm>> -> memref<45x256xf32, #tpu.memory_space<hbm>>
      tpu.enqueue_indirect_dma source(%dma_start3A_95 : memref<45x256xf32, #tpu.memory_space<hbm>>) target(%dma_start3A_90 : memref<16x256xf32, #tpu.memory_space<vmem>>) offsets(%dma_start3A_92 : memref<16xi32, #tpu.memory_space<vmem>>) semaphore(%arg14 : memref<!tpu.dma_semaphore, #tpu.memory_space<semaphore_mem>>)
      %add3A_96 = arith.addi %mul3A_4, %multiple_of3A_35 : i32
      %dma_start3A_97 = arith.constant 5 : i32
      %dma_start3A_98 = arith.constant 5 : i32
      %dma_start3A_99 = arith.constant 0 : i32
      %dma_start3A_100 = arith.constant 0 : i32
      %dma_start3A_101 = tpu.memref_slice %arg12[%dma_start3A_98, %dma_start3A_99, %dma_start3A_100] : memref<6x16x256xf32, #tpu.memory_space<vmem>> -> memref<1x16x256xf32, #tpu.memory_space<vmem>>
      %dma_start3A_102 = tpu.memref_squeeze %dma_start3A_101 : memref<1x16x256xf32, #tpu.memory_space<vmem>> -> memref<16x256xf32, #tpu.memory_space<vmem>>
      %dma_start3A_103 = tpu.memref_slice %arg11[%dma_start3A_97, %add3A_96] : memref<6x2560xi32, #tpu.memory_space<vmem>> -> memref<1x16xi32, #tpu.memory_space<vmem>>
      %dma_start3A_104 = tpu.memref_squeeze %dma_start3A_103 : memref<1x16xi32, #tpu.memory_space<vmem>> -> memref<16xi32, #tpu.memory_space<vmem>>
      %dma_start3A_105 = arith.constant 0 : i32
      %dma_start3A_106 = arith.constant 0 : i32
      %dma_start3A_107 = tpu.memref_slice %arg5[%dma_start3A_105, %dma_start3A_106] : memref<45x256xf32, #tpu.memory_space<hbm>> -> memref<45x256xf32, #tpu.memory_space<hbm>>
      tpu.enqueue_indirect_dma source(%dma_start3A_107 : memref<45x256xf32, #tpu.memory_space<hbm>>) target(%dma_start3A_102 : memref<16x256xf32, #tpu.memory_space<vmem>>) offsets(%dma_start3A_104 : memref<16xi32, #tpu.memory_space<vmem>>) semaphore(%arg14 : memref<!tpu.dma_semaphore, #tpu.memory_space<semaphore_mem>>)
      %dma_wait3A_108 = arith.constant 0 : i32
      %dma_wait3A_109 = arith.constant 0 : i32
      %dma_wait3A_110 = arith.constant 0 : i32
      %dma_wait3A_111 = arith.constant 0 : i32
      %dma_wait3A_112 = tpu.memref_slice %arg12[%dma_wait3A_109, %dma_wait3A_110, %dma_wait3A_111] : memref<6x16x256xf32, #tpu.memory_space<vmem>> -> memref<1x16x256xf32, #tpu.memory_space<vmem>>
      %dma_wait3A_113 = tpu.memref_squeeze %dma_wait3A_112 : memref<1x16x256xf32, #tpu.memory_space<vmem>> -> memref<16x256xf32, #tpu.memory_space<vmem>>
      %dma_wait3A_114 = tpu.memref_slice %arg11[%dma_wait3A_108, %add3A_36] : memref<6x2560xi32, #tpu.memory_space<vmem>> -> memref<1x16xi32, #tpu.memory_space<vmem>>
      %dma_wait3A_115 = tpu.memref_squeeze %dma_wait3A_114 : memref<1x16xi32, #tpu.memory_space<vmem>> -> memref<16xi32, #tpu.memory_space<vmem>>
      %dma_wait3A_116 = arith.constant 0 : i32
      %dma_wait3A_117 = arith.constant 0 : i32
      %dma_wait3A_118 = tpu.memref_slice %arg5[%dma_wait3A_116, %dma_wait3A_117] : memref<45x256xf32, #tpu.memory_space<hbm>> -> memref<45x256xf32, #tpu.memory_space<hbm>>
      tpu.wait_indirect_dma semaphore(%arg14 : memref<!tpu.dma_semaphore, #tpu.memory_space<semaphore_mem>>) src(%dma_wait3A_118 : memref<45x256xf32, #tpu.memory_space<hbm>>) dst(%dma_wait3A_113 : memref<16x256xf32, #tpu.memory_space<vmem>>)
      %dma_wait3A_119 = arith.constant 1 : i32
      %dma_wait3A_120 = arith.constant 1 : i32
      %dma_wait3A_121 = arith.constant 0 : i32
      %dma_wait3A_122 = arith.constant 0 : i32
      %dma_wait3A_123 = tpu.memref_slice %arg12[%dma_wait3A_120, %dma_wait3A_121, %dma_wait3A_122] : memref<6x16x256xf32, #tpu.memory_space<vmem>> -> memref<1x16x256xf32, #tpu.memory_space<vmem>>
      %dma_wait3A_124 = tpu.memref_squeeze %dma_wait3A_123 : memref<1x16x256xf32, #tpu.memory_space<vmem>> -> memref<16x256xf32, #tpu.memory_space<vmem>>
      %dma_wait3A_125 = tpu.memref_slice %arg11[%dma_wait3A_119, %add3A_48] : memref<6x2560xi32, #tpu.memory_space<vmem>> -> memref<1x16xi32, #tpu.memory_space<vmem>>
      %dma_wait3A_126 = tpu.memref_squeeze %dma_wait3A_125 : memref<1x16xi32, #tpu.memory_space<vmem>> -> memref<16xi32, #tpu.memory_space<vmem>>
      %dma_wait3A_127 = arith.constant 0 : i32
      %dma_wait3A_128 = arith.constant 0 : i32
      %dma_wait3A_129 = tpu.memref_slice %arg5[%dma_wait3A_127, %dma_wait3A_128] : memref<45x256xf32, #tpu.memory_space<hbm>> -> memref<45x256xf32, #tpu.memory_space<hbm>>
      tpu.wait_indirect_dma semaphore(%arg14 : memref<!tpu.dma_semaphore, #tpu.memory_space<semaphore_mem>>) src(%dma_wait3A_129 : memref<45x256xf32, #tpu.memory_space<hbm>>) dst(%dma_wait3A_124 : memref<16x256xf32, #tpu.memory_space<vmem>>)
      %dma_wait3A_130 = arith.constant 2 : i32
      %dma_wait3A_131 = arith.constant 2 : i32
      %dma_wait3A_132 = arith.constant 0 : i32
      %dma_wait3A_133 = arith.constant 0 : i32
      %dma_wait3A_134 = tpu.memref_slice %arg12[%dma_wait3A_131, %dma_wait3A_132, %dma_wait3A_133] : memref<6x16x256xf32, #tpu.memory_space<vmem>> -> memref<1x16x256xf32, #tpu.memory_space<vmem>>
      %dma_wait3A_135 = tpu.memref_squeeze %dma_wait3A_134 : memref<1x16x256xf32, #tpu.memory_space<vmem>> -> memref<16x256xf32, #tpu.memory_space<vmem>>
      %dma_wait3A_136 = tpu.memref_slice %arg11[%dma_wait3A_130, %add3A_60] : memref<6x2560xi32, #tpu.memory_space<vmem>> -> memref<1x16xi32, #tpu.memory_space<vmem>>
      %dma_wait3A_137 = tpu.memref_squeeze %dma_wait3A_136 : memref<1x16xi32, #tpu.memory_space<vmem>> -> memref<16xi32, #tpu.memory_space<vmem>>
      %dma_wait3A_138 = arith.constant 0 : i32
      %dma_wait3A_139 = arith.constant 0 : i32
      %dma_wait3A_140 = tpu.memref_slice %arg5[%dma_wait3A_138, %dma_wait3A_139] : memref<45x256xf32, #tpu.memory_space<hbm>> -> memref<45x256xf32, #tpu.memory_space<hbm>>
      tpu.wait_indirect_dma semaphore(%arg14 : memref<!tpu.dma_semaphore, #tpu.memory_space<semaphore_mem>>) src(%dma_wait3A_140 : memref<45x256xf32, #tpu.memory_space<hbm>>) dst(%dma_wait3A_135 : memref<16x256xf32, #tpu.memory_space<vmem>>)
      %dma_wait3A_141 = arith.constant 3 : i32
      %dma_wait3A_142 = arith.constant 3 : i32
      %dma_wait3A_143 = arith.constant 0 : i32
      %dma_wait3A_144 = arith.constant 0 : i32
      %dma_wait3A_145 = tpu.memref_slice %arg12[%dma_wait3A_142, %dma_wait3A_143, %dma_wait3A_144] : memref<6x16x256xf32, #tpu.memory_space<vmem>> -> memref<1x16x256xf32, #tpu.memory_space<vmem>>
      %dma_wait3A_146 = tpu.memref_squeeze %dma_wait3A_145 : memref<1x16x256xf32, #tpu.memory_space<vmem>> -> memref<16x256xf32, #tpu.memory_space<vmem>>
      %dma_wait3A_147 = tpu.memref_slice %arg11[%dma_wait3A_141, %add3A_72] : memref<6x2560xi32, #tpu.memory_space<vmem>> -> memref<1x16xi32, #tpu.memory_space<vmem>>
      %dma_wait3A_148 = tpu.memref_squeeze %dma_wait3A_147 : memref<1x16xi32, #tpu.memory_space<vmem>> -> memref<16xi32, #tpu.memory_space<vmem>>
      %dma_wait3A_149 = arith.constant 0 : i32
      %dma_wait3A_150 = arith.constant 0 : i32
      %dma_wait3A_151 = tpu.memref_slice %arg5[%dma_wait3A_149, %dma_wait3A_150] : memref<45x256xf32, #tpu.memory_space<hbm>> -> memref<45x256xf32, #tpu.memory_space<hbm>>
      tpu.wait_indirect_dma semaphore(%arg14 : memref<!tpu.dma_semaphore, #tpu.memory_space<semaphore_mem>>) src(%dma_wait3A_151 : memref<45x256xf32, #tpu.memory_space<hbm>>) dst(%dma_wait3A_146 : memref<16x256xf32, #tpu.memory_space<vmem>>)
      %dma_wait3A_152 = arith.constant 4 : i32
      %dma_wait3A_153 = arith.constant 4 : i32
      %dma_wait3A_154 = arith.constant 0 : i32
      %dma_wait3A_155 = arith.constant 0 : i32
      %dma_wait3A_156 = tpu.memref_slice %arg12[%dma_wait3A_153, %dma_wait3A_154, %dma_wait3A_155] : memref<6x16x256xf32, #tpu.memory_space<vmem>> -> memref<1x16x256xf32, #tpu.memory_space<vmem>>
      %dma_wait3A_157 = tpu.memref_squeeze %dma_wait3A_156 : memref<1x16x256xf32, #tpu.memory_space<vmem>> -> memref<16x256xf32, #tpu.memory_space<vmem>>
      %dma_wait3A_158 = tpu.memref_slice %arg11[%dma_wait3A_152, %add3A_84] : memref<6x2560xi32, #tpu.memory_space<vmem>> -> memref<1x16xi32, #tpu.memory_space<vmem>>
      %dma_wait3A_159 = tpu.memref_squeeze %dma_wait3A_158 : memref<1x16xi32, #tpu.memory_space<vmem>> -> memref<16xi32, #tpu.memory_space<vmem>>
      %dma_wait3A_160 = arith.constant 0 : i32
      %dma_wait3A_161 = arith.constant 0 : i32
      %dma_wait3A_162 = tpu.memref_slice %arg5[%dma_wait3A_160, %dma_wait3A_161] : memref<45x256xf32, #tpu.memory_space<hbm>> -> memref<45x256xf32, #tpu.memory_space<hbm>>
      tpu.wait_indirect_dma semaphore(%arg14 : memref<!tpu.dma_semaphore, #tpu.memory_space<semaphore_mem>>) src(%dma_wait3A_162 : memref<45x256xf32, #tpu.memory_space<hbm>>) dst(%dma_wait3A_157 : memref<16x256xf32, #tpu.memory_space<vmem>>)
      %dma_wait3A_163 = arith.constant 5 : i32
      %dma_wait3A_164 = arith.constant 5 : i32
      %dma_wait3A_165 = arith.constant 0 : i32
      %dma_wait3A_166 = arith.constant 0 : i32
      %dma_wait3A_167 = tpu.memref_slice %arg12[%dma_wait3A_164, %dma_wait3A_165, %dma_wait3A_166] : memref<6x16x256xf32, #tpu.memory_space<vmem>> -> memref<1x16x256xf32, #tpu.memory_space<vmem>>
      %dma_wait3A_168 = tpu.memref_squeeze %dma_wait3A_167 : memref<1x16x256xf32, #tpu.memory_space<vmem>> -> memref<16x256xf32, #tpu.memory_space<vmem>>
      %dma_wait3A_169 = tpu.memref_slice %arg11[%dma_wait3A_163, %add3A_96] : memref<6x2560xi32, #tpu.memory_space<vmem>> -> memref<1x16xi32, #tpu.memory_space<vmem>>
      %dma_wait3A_170 = tpu.memref_squeeze %dma_wait3A_169 : memref<1x16xi32, #tpu.memory_space<vmem>> -> memref<16xi32, #tpu.memory_space<vmem>>
      %dma_wait3A_171 = arith.constant 0 : i32
      %dma_wait3A_172 = arith.constant 0 : i32
      %dma_wait3A_173 = tpu.memref_slice %arg5[%dma_wait3A_171, %dma_wait3A_172] : memref<45x256xf32, #tpu.memory_space<hbm>> -> memref<45x256xf32, #tpu.memory_space<hbm>>
      tpu.wait_indirect_dma semaphore(%arg14 : memref<!tpu.dma_semaphore, #tpu.memory_space<semaphore_mem>>) src(%dma_wait3A_173 : memref<45x256xf32, #tpu.memory_space<hbm>>) dst(%dma_wait3A_168 : memref<16x256xf32, #tpu.memory_space<vmem>>)
      %scan3A_174 = arith.constant 0 : i32
      %scan3A_175 = arith.constant 0 : i32
      %scan3A_176 = arith.constant 16 : i32
      %scan3A_177 = arith.addi %scan3A_175, %scan3A_176 : i32
      %scan3A_178 = arith.constant 1 : i32
      %scan3A_179 = scf.for %scan3A_183 = %scan3A_175 to %scan3A_177 step %scan3A_178 iter_args(%scan3A_184 = %scan3A_174) -> (i32)  : i32 {
        %get3A = arith.constant 0 : i32
        %get3A_185 = arith.index_cast %get3A : i32 to index
        %get3A_186 = arith.index_cast %scan3A_183 : i32 to index
        %get3A_187 = arith.constant 0 : index
        %get3A_188 = tpu.vector_load %arg12[%get3A_185, %get3A_186, %get3A_187] {strides = array<i32>} : memref<6x16x256xf32, #tpu.memory_space<vmem>>, vector<1x1x16xf32>,
        %get3A_189 = vector.shape_cast %get3A_188 : vector<1x1x16xf32> to vector<16xf32>
        %get3A_190 = arith.constant 1 : i32
        %get3A_191 = arith.index_cast %get3A_190 : i32 to index
        %get3A_192 = arith.index_cast %scan3A_183 : i32 to index
        %get3A_193 = arith.constant 0 : index
        %get3A_194 = tpu.vector_load %arg12[%get3A_191, %get3A_192, %get3A_193] {strides = array<i32>} : memref<6x16x256xf32, #tpu.memory_space<vmem>>, vector<1x1x16xf32>,
        %get3A_195 = vector.shape_cast %get3A_194 : vector<1x1x16xf32> to vector<16xf32>
        %add3A_196 = arith.addf %get3A_189, %get3A_195 : vector<16xf32>
        %get3A_197 = arith.constant 2 : i32
        %get3A_198 = arith.index_cast %get3A_197 : i32 to index
        %get3A_199 = arith.index_cast %scan3A_183 : i32 to index
        %get3A_200 = arith.constant 0 : index
        %get3A_201 = tpu.vector_load %arg12[%get3A_198, %get3A_199, %get3A_200] {strides = array<i32>} : memref<6x16x256xf32, #tpu.memory_space<vmem>>, vector<1x1x16xf32>,
        %get3A_202 = vector.shape_cast %get3A_201 : vector<1x1x16xf32> to vector<16xf32>
        %add3A_203 = arith.addf %add3A_196, %get3A_202 : vector<16xf32>
        %get3A_204 = arith.constant 3 : i32
        %get3A_205 = arith.index_cast %get3A_204 : i32 to index
        %get3A_206 = arith.index_cast %scan3A_183 : i32 to index
        %get3A_207 = arith.constant 0 : index
        %get3A_208 = tpu.vector_load %arg12[%get3A_205, %get3A_206, %get3A_207] {strides = array<i32>} : memref<6x16x256xf32, #tpu.memory_space<vmem>>, vector<1x1x16xf32>,
        %get3A_209 = vector.shape_cast %get3A_208 : vector<1x1x16xf32> to vector<16xf32>
        %add3A_210 = arith.addf %add3A_203, %get3A_209 : vector<16xf32>
        %get3A_211 = arith.constant 4 : i32
        %get3A_212 = arith.index_cast %get3A_211 : i32 to index
        %get3A_213 = arith.index_cast %scan3A_183 : i32 to index
        %get3A_214 = arith.constant 0 : index
        %get3A_215 = tpu.vector_load %arg12[%get3A_212, %get3A_213, %get3A_214] {strides = array<i32>} : memref<6x16x256xf32, #tpu.memory_space<vmem>>, vector<1x1x16xf32>,
        %get3A_216 = vector.shape_cast %get3A_215 : vector<1x1x16xf32> to vector<16xf32>
        %add3A_217 = arith.addf %add3A_210, %get3A_216 : vector<16xf32>
        %get3A_218 = arith.constant 5 : i32
        %get3A_219 = arith.index_cast %get3A_218 : i32 to index
        %get3A_220 = arith.index_cast %scan3A_183 : i32 to index
        %get3A_221 = arith.constant 0 : index
        %get3A_222 = tpu.vector_load %arg12[%get3A_219, %get3A_220, %get3A_221] {strides = array<i32>} : memref<6x16x256xf32, #tpu.memory_space<vmem>>, vector<1x1x16xf32>,
        %get3A_223 = vector.shape_cast %get3A_222 : vector<1x1x16xf32> to vector<16xf32>
        %add3A_224 = arith.addf %add3A_217, %get3A_223 : vector<16xf32>
        %swap3A = arith.index_cast %scan3A_183 : i32 to index
        %swap3A_225 = arith.constant 0 : index
        %swap3A_226 = tpu.vector_load %arg13[%swap3A, %swap3A_225] {strides = array<i32>} : memref<16x256xf32, #tpu.memory_space<vmem>>, vector<1x16xf32>,
        %swap3A_227 = vector.shape_cast %swap3A_226 : vector<1x16xf32> to vector<16xf32>
        %swap3A_228 = vector.shape_cast %add3A_224 : vector<16xf32> to vector<1x16xf32>
        tpu.vector_store %arg13[%swap3A, %swap3A_225], %swap3A_228 {strides = array<i32>} : memref<16x256xf32, #tpu.memory_space<vmem>>, vector<1x16xf32>,
        %get3A_229 = arith.constant 0 : i32
        %get3A_230 = arith.index_cast %get3A_229 : i32 to index
        %get3A_231 = arith.index_cast %scan3A_183 : i32 to index
        %get3A_232 = arith.constant 16 : index
        %get3A_233 = tpu.vector_load %arg12[%get3A_230, %get3A_231, %get3A_232] {strides = array<i32>} : memref<6x16x256xf32, #tpu.memory_space<vmem>>, vector<1x1x16xf32>,
        %get3A_234 = vector.shape_cast %get3A_233 : vector<1x1x16xf32> to vector<16xf32>
        %get3A_235 = arith.constant 1 : i32
        %get3A_236 = arith.index_cast %get3A_235 : i32 to index
        %get3A_237 = arith.index_cast %scan3A_183 : i32 to index
        %get3A_238 = arith.constant 16 : index
        %get3A_239 = tpu.vector_load %arg12[%get3A_236, %get3A_237, %get3A_238] {strides = array<i32>} : memref<6x16x256xf32, #tpu.memory_space<vmem>>, vector<1x1x16xf32>,
        %get3A_240 = vector.shape_cast %get3A_239 : vector<1x1x16xf32> to vector<16xf32>
        %add3A_241 = arith.addf %get3A_234, %get3A_240 : vector<16xf32>
        %get3A_242 = arith.constant 2 : i32
        %get3A_243 = arith.index_cast %get3A_242 : i32 to index
        %get3A_244 = arith.index_cast %scan3A_183 : i32 to index
        %get3A_245 = arith.constant 16 : index
        %get3A_246 = tpu.vector_load %arg12[%get3A_243, %get3A_244, %get3A_245] {strides = array<i32>} : memref<6x16x256xf32, #tpu.memory_space<vmem>>, vector<1x1x16xf32>,
        %get3A_247 = vector.shape_cast %get3A_246 : vector<1x1x16xf32> to vector<16xf32>
        %add3A_248 = arith.addf %add3A_241, %get3A_247 : vector<16xf32>
        %get3A_249 = arith.constant 3 : i32
        %get3A_250 = arith.index_cast %get3A_249 : i32 to index
        %get3A_251 = arith.index_cast %scan3A_183 : i32 to index
        %get3A_252 = arith.constant 16 : index
        %get3A_253 = tpu.vector_load %arg12[%get3A_250, %get3A_251, %get3A_252] {strides = array<i32>} : memref<6x16x256xf32, #tpu.memory_space<vmem>>, vector<1x1x16xf32>,
        %get3A_254 = vector.shape_cast %get3A_253 : vector<1x1x16xf32> to vector<16xf32>
        %add3A_255 = arith.addf %add3A_248, %get3A_254 : vector<16xf32>
        %get3A_256 = arith.constant 4 : i32
        %get3A_257 = arith.index_cast %get3A_256 : i32 to index
        %get3A_258 = arith.index_cast %scan3A_183 : i32 to index
        %get3A_259 = arith.constant 16 : index
        %get3A_260 = tpu.vector_load %arg12[%get3A_257, %get3A_258, %get3A_259] {strides = array<i32>} : memref<6x16x256xf32, #tpu.memory_space<vmem>>, vector<1x1x16xf32>,
        %get3A_261 = vector.shape_cast %get3A_260 : vector<1x1x16xf32> to vector<16xf32>
        %add3A_262 = arith.addf %add3A_255, %get3A_261 : vector<16xf32>
        %get3A_263 = arith.constant 5 : i32
        %get3A_264 = arith.index_cast %get3A_263 : i32 to index
        %get3A_265 = arith.index_cast %scan3A_183 : i32 to index
        %get3A_266 = arith.constant 16 : index
        %get3A_267 = tpu.vector_load %arg12[%get3A_264, %get3A_265, %get3A_266] {strides = array<i32>} : memref<6x16x256xf32, #tpu.memory_space<vmem>>, vector<1x1x16xf32>,
        %get3A_268 = vector.shape_cast %get3A_267 : vector<1x1x16xf32> to vector<16xf32>
        %add3A_269 = arith.addf %add3A_262, %get3A_268 : vector<16xf32>
        %swap3A_270 = arith.index_cast %scan3A_183 : i32 to index
        %swap3A_271 = arith.constant 16 : index
        %swap3A_272 = tpu.vector_load %arg13[%swap3A_270, %swap3A_271] {strides = array<i32>} : memref<16x256xf32, #tpu.memory_space<vmem>>, vector<1x16xf32>,
        %swap3A_273 = vector.shape_cast %swap3A_272 : vector<1x16xf32> to vector<16xf32>
        %swap3A_274 = vector.shape_cast %add3A_269 : vector<16xf32> to vector<1x16xf32>
        tpu.vector_store %arg13[%swap3A_270, %swap3A_271], %swap3A_274 {strides = array<i32>} : memref<16x256xf32, #tpu.memory_space<vmem>>, vector<1x16xf32>,
        %get3A_275 = arith.constant 0 : i32
        %get3A_276 = arith.index_cast %get3A_275 : i32 to index
        %get3A_277 = arith.index_cast %scan3A_183 : i32 to index
        %get3A_278 = arith.constant 32 : index
        %get3A_279 = tpu.vector_load %arg12[%get3A_276, %get3A_277, %get3A_278] {strides = array<i32>} : memref<6x16x256xf32, #tpu.memory_space<vmem>>, vector<1x1x16xf32>,
        %get3A_280 = vector.shape_cast %get3A_279 : vector<1x1x16xf32> to vector<16xf32>
        %get3A_281 = arith.constant 1 : i32
        %get3A_282 = arith.index_cast %get3A_281 : i32 to index
        %get3A_283 = arith.index_cast %scan3A_183 : i32 to index
        %get3A_284 = arith.constant 32 : index
        %get3A_285 = tpu.vector_load %arg12[%get3A_282, %get3A_283, %get3A_284] {strides = array<i32>} : memref<6x16x256xf32, #tpu.memory_space<vmem>>, vector<1x1x16xf32>,
        %get3A_286 = vector.shape_cast %get3A_285 : vector<1x1x16xf32> to vector<16xf32>
        %add3A_287 = arith.addf %get3A_280, %get3A_286 : vector<16xf32>
        %get3A_288 = arith.constant 2 : i32
        %get3A_289 = arith.index_cast %get3A_288 : i32 to index
        %get3A_290 = arith.index_cast %scan3A_183 : i32 to index
        %get3A_291 = arith.constant 32 : index
        %get3A_292 = tpu.vector_load %arg12[%get3A_289, %get3A_290, %get3A_291] {strides = array<i32>} : memref<6x16x256xf32, #tpu.memory_space<vmem>>, vector<1x1x16xf32>,
        %get3A_293 = vector.shape_cast %get3A_292 : vector<1x1x16xf32> to vector<16xf32>
        %add3A_294 = arith.addf %add3A_287, %get3A_293 : vector<16xf32>
        %get3A_295 = arith.constant 3 : i32
        %get3A_296 = arith.index_cast %get3A_295 : i32 to index
        %get3A_297 = arith.index_cast %scan3A_183 : i32 to index
        %get3A_298 = arith.constant 32 : index
        %get3A_299 = tpu.vector_load %arg12[%get3A_296, %get3A_297, %get3A_298] {strides = array<i32>} : memref<6x16x256xf32, #tpu.memory_space<vmem>>, vector<1x1x16xf32>,
        %get3A_300 = vector.shape_cast %get3A_299 : vector<1x1x16xf32> to vector<16xf32>
        %add3A_301 = arith.addf %add3A_294, %get3A_300 : vector<16xf32>
        %get3A_302 = arith.constant 4 : i32
        %get3A_303 = arith.index_cast %get3A_302 : i32 to index
        %get3A_304 = arith.index_cast %scan3A_183 : i32 to index
        %get3A_305 = arith.constant 32 : index
        %get3A_306 = tpu.vector_load %arg12[%get3A_303, %get3A_304, %get3A_305] {strides = array<i32>} : memref<6x16x256xf32, #tpu.memory_space<vmem>>, vector<1x1x16xf32>,
        %get3A_307 = vector.shape_cast %get3A_306 : vector<1x1x16xf32> to vector<16xf32>
        %add3A_308 = arith.addf %add3A_301, %get3A_307 : vector<16xf32>
        %get3A_309 = arith.constant 5 : i32
        %get3A_310 = arith.index_cast %get3A_309 : i32 to index
        %get3A_311 = arith.index_cast %scan3A_183 : i32 to index
        %get3A_312 = arith.constant 32 : index
        %get3A_313 = tpu.vector_load %arg12[%get3A_310, %get3A_311, %get3A_312] {strides = array<i32>} : memref<6x16x256xf32, #tpu.memory_space<vmem>>, vector<1x1x16xf32>,
        %get3A_314 = vector.shape_cast %get3A_313 : vector<1x1x16xf32> to vector<16xf32>
        %add3A_315 = arith.addf %add3A_308, %get3A_314 : vector<16xf32>
        %swap3A_316 = arith.index_cast %scan3A_183 : i32 to index
        %swap3A_317 = arith.constant 32 : index
        %swap3A_318 = tpu.vector_load %arg13[%swap3A_316, %swap3A_317] {strides = array<i32>} : memref<16x256xf32, #tpu.memory_space<vmem>>, vector<1x16xf32>,
        %swap3A_319 = vector.shape_cast %swap3A_318 : vector<1x16xf32> to vector<16xf32>
        %swap3A_320 = vector.shape_cast %add3A_315 : vector<16xf32> to vector<1x16xf32>
        tpu.vector_store %arg13[%swap3A_316, %swap3A_317], %swap3A_320 {strides = array<i32>} : memref<16x256xf32, #tpu.memory_space<vmem>>, vector<1x16xf32>,
        %get3A_321 = arith.constant 0 : i32
        %get3A_322 = arith.index_cast %get3A_321 : i32 to index
        %get3A_323 = arith.index_cast %scan3A_183 : i32 to index
        %get3A_324 = arith.constant 48 : index
        %get3A_325 = tpu.vector_load %arg12[%get3A_322, %get3A_323, %get3A_324] {strides = array<i32>} : memref<6x16x256xf32, #tpu.memory_space<vmem>>, vector<1x1x16xf32>,
        %get3A_326 = vector.shape_cast %get3A_325 : vector<1x1x16xf32> to vector<16xf32>
        %get3A_327 = arith.constant 1 : i32
        %get3A_328 = arith.index_cast %get3A_327 : i32 to index
        %get3A_329 = arith.index_cast %scan3A_183 : i32 to index
        %get3A_330 = arith.constant 48 : index
        %get3A_331 = tpu.vector_load %arg12[%get3A_328, %get3A_329, %get3A_330] {strides = array<i32>} : memref<6x16x256xf32, #tpu.memory_space<vmem>>, vector<1x1x16xf32>,
        %get3A_332 = vector.shape_cast %get3A_331 : vector<1x1x16xf32> to vector<16xf32>
        %add3A_333 = arith.addf %get3A_326, %get3A_332 : vector<16xf32>
        %get3A_334 = arith.constant 2 : i32
        %get3A_335 = arith.index_cast %get3A_334 : i32 to index
        %get3A_336 = arith.index_cast %scan3A_183 : i32 to index
        %get3A_337 = arith.constant 48 : index
        %get3A_338 = tpu.vector_load %arg12[%get3A_335, %get3A_336, %get3A_337] {strides = array<i32>} : memref<6x16x256xf32, #tpu.memory_space<vmem>>, vector<1x1x16xf32>,
        %get3A_339 = vector.shape_cast %get3A_338 : vector<1x1x16xf32> to vector<16xf32>
        %add3A_340 = arith.addf %add3A_333, %get3A_339 : vector<16xf32>
        %get3A_341 = arith.constant 3 : i32
        %get3A_342 = arith.index_cast %get3A_341 : i32 to index
        %get3A_343 = arith.index_cast %scan3A_183 : i32 to index
        %get3A_344 = arith.constant 48 : index
        %get3A_345 = tpu.vector_load %arg12[%get3A_342, %get3A_343, %get3A_344] {strides = array<i32>} : memref<6x16x256xf32, #tpu.memory_space<vmem>>, vector<1x1x16xf32>,
        %get3A_346 = vector.shape_cast %get3A_345 : vector<1x1x16xf32> to vector<16xf32>
        %add3A_347 = arith.addf %add3A_340, %get3A_346 : vector<16xf32>
        %get3A_348 = arith.constant 4 : i32
        %get3A_349 = arith.index_cast %get3A_348 : i32 to index
        %get3A_350 = arith.index_cast %scan3A_183 : i32 to index
        %get3A_351 = arith.constant 48 : index
        %get3A_352 = tpu.vector_load %arg12[%get3A_349, %get3A_350, %get3A_351] {strides = array<i32>} : memref<6x16x256xf32, #tpu.memory_space<vmem>>, vector<1x1x16xf32>,
        %get3A_353 = vector.shape_cast %get3A_352 : vector<1x1x16xf32> to vector<16xf32>
        %add3A_354 = arith.addf %add3A_347, %get3A_353 : vector<16xf32>
        %get3A_355 = arith.constant 5 : i32
        %get3A_356 = arith.index_cast %get3A_355 : i32 to index
        %get3A_357 = arith.index_cast %scan3A_183 : i32 to index
        %get3A_358 = arith.constant 48 : index
        %get3A_359 = tpu.vector_load %arg12[%get3A_356, %get3A_357, %get3A_358] {strides = array<i32>} : memref<6x16x256xf32, #tpu.memory_space<vmem>>, vector<1x1x16xf32>,
        %get3A_360 = vector.shape_cast %get3A_359 : vector<1x1x16xf32> to vector<16xf32>
        %add3A_361 = arith.addf %add3A_354, %get3A_360 : vector<16xf32>
        %swap3A_362 = arith.index_cast %scan3A_183 : i32 to index
        %swap3A_363 = arith.constant 48 : index
        %swap3A_364 = tpu.vector_load %arg13[%swap3A_362, %swap3A_363] {strides = array<i32>} : memref<16x256xf32, #tpu.memory_space<vmem>>, vector<1x16xf32>,
        %swap3A_365 = vector.shape_cast %swap3A_364 : vector<1x16xf32> to vector<16xf32>
        %swap3A_366 = vector.shape_cast %add3A_361 : vector<16xf32> to vector<1x16xf32>
        tpu.vector_store %arg13[%swap3A_362, %swap3A_363], %swap3A_366 {strides = array<i32>} : memref<16x256xf32, #tpu.memory_space<vmem>>, vector<1x16xf32>,
        %get3A_367 = arith.constant 0 : i32
        %get3A_368 = arith.index_cast %get3A_367 : i32 to index
        %get3A_369 = arith.index_cast %scan3A_183 : i32 to index
        %get3A_370 = arith.constant 64 : index
        %get3A_371 = tpu.vector_load %arg12[%get3A_368, %get3A_369, %get3A_370] {strides = array<i32>} : memref<6x16x256xf32, #tpu.memory_space<vmem>>, vector<1x1x16xf32>,
        %get3A_372 = vector.shape_cast %get3A_371 : vector<1x1x16xf32> to vector<16xf32>
        %get3A_373 = arith.constant 1 : i32
        %get3A_374 = arith.index_cast %get3A_373 : i32 to index
        %get3A_375 = arith.index_cast %scan3A_183 : i32 to index
        %get3A_376 = arith.constant 64 : index
        %get3A_377 = tpu.vector_load %arg12[%get3A_374, %get3A_375, %get3A_376] {strides = array<i32>} : memref<6x16x256xf32, #tpu.memory_space<vmem>>, vector<1x1x16xf32>,
        %get3A_378 = vector.shape_cast %get3A_377 : vector<1x1x16xf32> to vector<16xf32>
        %add3A_379 = arith.addf %get3A_372, %get3A_378 : vector<16xf32>
        %get3A_380 = arith.constant 2 : i32
        %get3A_381 = arith.index_cast %get3A_380 : i32 to index
        %get3A_382 = arith.index_cast %scan3A_183 : i32 to index
        %get3A_383 = arith.constant 64 : index
        %get3A_384 = tpu.vector_load %arg12[%get3A_381, %get3A_382, %get3A_383] {strides = array<i32>} : memref<6x16x256xf32, #tpu.memory_space<vmem>>, vector<1x1x16xf32>,
        %get3A_385 = vector.shape_cast %get3A_384 : vector<1x1x16xf32> to vector<16xf32>
        %add3A_386 = arith.addf %add3A_379, %get3A_385 : vector<16xf32>
        %get3A_387 = arith.constant 3 : i32
        %get3A_388 = arith.index_cast %get3A_387 : i32 to index
        %get3A_389 = arith.index_cast %scan3A_183 : i32 to index
        %get3A_390 = arith.constant 64 : index
        %get3A_391 = tpu.vector_load %arg12[%get3A_388, %get3A_389, %get3A_390] {strides = array<i32>} : memref<6x16x256xf32, #tpu.memory_space<vmem>>, vector<1x1x16xf32>,
        %get3A_392 = vector.shape_cast %get3A_391 : vector<1x1x16xf32> to vector<16xf32>
        %add3A_393 = arith.addf %add3A_386, %get3A_392 : vector<16xf32>
        %get3A_394 = arith.constant 4 : i32
        %get3A_395 = arith.index_cast %get3A_394 : i32 to index
        %get3A_396 = arith.index_cast %scan3A_183 : i32 to index
        %get3A_397 = arith.constant 64 : index
        %get3A_398 = tpu.vector_load %arg12[%get3A_395, %get3A_396, %get3A_397] {strides = array<i32>} : memref<6x16x256xf32, #tpu.memory_space<vmem>>, vector<1x1x16xf32>,
        %get3A_399 = vector.shape_cast %get3A_398 : vector<1x1x16xf32> to vector<16xf32>
        %add3A_400 = arith.addf %add3A_393, %get3A_399 : vector<16xf32>
        %get3A_401 = arith.constant 5 : i32
        %get3A_402 = arith.index_cast %get3A_401 : i32 to index
        %get3A_403 = arith.index_cast %scan3A_183 : i32 to index
        %get3A_404 = arith.constant 64 : index
        %get3A_405 = tpu.vector_load %arg12[%get3A_402, %get3A_403, %get3A_404] {strides = array<i32>} : memref<6x16x256xf32, #tpu.memory_space<vmem>>, vector<1x1x16xf32>,
        %get3A_406 = vector.shape_cast %get3A_405 : vector<1x1x16xf32> to vector<16xf32>
        %add3A_407 = arith.addf %add3A_400, %get3A_406 : vector<16xf32>
        %swap3A_408 = arith.index_cast %scan3A_183 : i32 to index
        %swap3A_409 = arith.constant 64 : index
        %swap3A_410 = tpu.vector_load %arg13[%swap3A_408, %swap3A_409] {strides = array<i32>} : memref<16x256xf32, #tpu.memory_space<vmem>>, vector<1x16xf32>,
        %swap3A_411 = vector.shape_cast %swap3A_410 : vector<1x16xf32> to vector<16xf32>
        %swap3A_412 = vector.shape_cast %add3A_407 : vector<16xf32> to vector<1x16xf32>
        tpu.vector_store %arg13[%swap3A_408, %swap3A_409], %swap3A_412 {strides = array<i32>} : memref<16x256xf32, #tpu.memory_space<vmem>>, vector<1x16xf32>,
        %get3A_413 = arith.constant 0 : i32
        %get3A_414 = arith.index_cast %get3A_413 : i32 to index
        %get3A_415 = arith.index_cast %scan3A_183 : i32 to index
        %get3A_416 = arith.constant 80 : index
        %get3A_417 = tpu.vector_load %arg12[%get3A_414, %get3A_415, %get3A_416] {strides = array<i32>} : memref<6x16x256xf32, #tpu.memory_space<vmem>>, vector<1x1x16xf32>,
        %get3A_418 = vector.shape_cast %get3A_417 : vector<1x1x16xf32> to vector<16xf32>
        %get3A_419 = arith.constant 1 : i32
        %get3A_420 = arith.index_cast %get3A_419 : i32 to index
        %get3A_421 = arith.index_cast %scan3A_183 : i32 to index
        %get3A_422 = arith.constant 80 : index
        %get3A_423 = tpu.vector_load %arg12[%get3A_420, %get3A_421, %get3A_422] {strides = array<i32>} : memref<6x16x256xf32, #tpu.memory_space<vmem>>, vector<1x1x16xf32>,
        %get3A_424 = vector.shape_cast %get3A_423 : vector<1x1x16xf32> to vector<16xf32>
        %add3A_425 = arith.addf %get3A_418, %get3A_424 : vector<16xf32>
        %get3A_426 = arith.constant 2 : i32
        %get3A_427 = arith.index_cast %get3A_426 : i32 to index
        %get3A_428 = arith.index_cast %scan3A_183 : i32 to index
        %get3A_429 = arith.constant 80 : index
        %get3A_430 = tpu.vector_load %arg12[%get3A_427, %get3A_428, %get3A_429] {strides = array<i32>} : memref<6x16x256xf32, #tpu.memory_space<vmem>>, vector<1x1x16xf32>,
        %get3A_431 = vector.shape_cast %get3A_430 : vector<1x1x16xf32> to vector<16xf32>
        %add3A_432 = arith.addf %add3A_425, %get3A_431 : vector<16xf32>
        %get3A_433 = arith.constant 3 : i32
        %get3A_434 = arith.index_cast %get3A_433 : i32 to index
        %get3A_435 = arith.index_cast %scan3A_183 : i32 to index
        %get3A_436 = arith.constant 80 : index
        %get3A_437 = tpu.vector_load %arg12[%get3A_434, %get3A_435, %get3A_436] {strides = array<i32>} : memref<6x16x256xf32, #tpu.memory_space<vmem>>, vector<1x1x16xf32>,
        %get3A_438 = vector.shape_cast %get3A_437 : vector<1x1x16xf32> to vector<16xf32>
        %add3A_439 = arith.addf %add3A_432, %get3A_438 : vector<16xf32>
        %get3A_440 = arith.constant 4 : i32
        %get3A_441 = arith.index_cast %get3A_440 : i32 to index
        %get3A_442 = arith.index_cast %scan3A_183 : i32 to index
        %get3A_443 = arith.constant 80 : index
        %get3A_444 = tpu.vector_load %arg12[%get3A_441, %get3A_442, %get3A_443] {strides = array<i32>} : memref<6x16x256xf32, #tpu.memory_space<vmem>>, vector<1x1x16xf32>,
        %get3A_445 = vector.shape_cast %get3A_444 : vector<1x1x16xf32> to vector<16xf32>
        %add3A_446 = arith.addf %add3A_439, %get3A_445 : vector<16xf32>
        %get3A_447 = arith.constant 5 : i32
        %get3A_448 = arith.index_cast %get3A_447 : i32 to index
        %get3A_449 = arith.index_cast %scan3A_183 : i32 to index
        %get3A_450 = arith.constant 80 : index
        %get3A_451 = tpu.vector_load %arg12[%get3A_448, %get3A_449, %get3A_450] {strides = array<i32>} : memref<6x16x256xf32, #tpu.memory_space<vmem>>, vector<1x1x16xf32>,
        %get3A_452 = vector.shape_cast %get3A_451 : vector<1x1x16xf32> to vector<16xf32>
        %add3A_453 = arith.addf %add3A_446, %get3A_452 : vector<16xf32>
        %swap3A_454 = arith.index_cast %scan3A_183 : i32 to index
        %swap3A_455 = arith.constant 80 : index
        %swap3A_456 = tpu.vector_load %arg13[%swap3A_454, %swap3A_455] {strides = array<i32>} : memref<16x256xf32, #tpu.memory_space<vmem>>, vector<1x16xf32>,
        %swap3A_457 = vector.shape_cast %swap3A_456 : vector<1x16xf32> to vector<16xf32>
        %swap3A_458 = vector.shape_cast %add3A_453 : vector<16xf32> to vector<1x16xf32>
        tpu.vector_store %arg13[%swap3A_454, %swap3A_455], %swap3A_458 {strides = array<i32>} : memref<16x256xf32, #tpu.memory_space<vmem>>, vector<1x16xf32>,
        %get3A_459 = arith.constant 0 : i32
        %get3A_460 = arith.index_cast %get3A_459 : i32 to index
        %get3A_461 = arith.index_cast %scan3A_183 : i32 to index
        %get3A_462 = arith.constant 96 : index
        %get3A_463 = tpu.vector_load %arg12[%get3A_460, %get3A_461, %get3A_462] {strides = array<i32>} : memref<6x16x256xf32, #tpu.memory_space<vmem>>, vector<1x1x16xf32>,
        %get3A_464 = vector.shape_cast %get3A_463 : vector<1x1x16xf32> to vector<16xf32>
        %get3A_465 = arith.constant 1 : i32
        %get3A_466 = arith.index_cast %get3A_465 : i32 to index
        %get3A_467 = arith.index_cast %scan3A_183 : i32 to index
        %get3A_468 = arith.constant 96 : index
        %get3A_469 = tpu.vector_load %arg12[%get3A_466, %get3A_467, %get3A_468] {strides = array<i32>} : memref<6x16x256xf32, #tpu.memory_space<vmem>>, vector<1x1x16xf32>,
        %get3A_470 = vector.shape_cast %get3A_469 : vector<1x1x16xf32> to vector<16xf32>
        %add3A_471 = arith.addf %get3A_464, %get3A_470 : vector<16xf32>
        %get3A_472 = arith.constant 2 : i32
        %get3A_473 = arith.index_cast %get3A_472 : i32 to index
        %get3A_474 = arith.index_cast %scan3A_183 : i32 to index
        %get3A_475 = arith.constant 96 : index
        %get3A_476 = tpu.vector_load %arg12[%get3A_473, %get3A_474, %get3A_475] {strides = array<i32>} : memref<6x16x256xf32, #tpu.memory_space<vmem>>, vector<1x1x16xf32>,
        %get3A_477 = vector.shape_cast %get3A_476 : vector<1x1x16xf32> to vector<16xf32>
        %add3A_478 = arith.addf %add3A_471, %get3A_477 : vector<16xf32>
        %get3A_479 = arith.constant 3 : i32
        %get3A_480 = arith.index_cast %get3A_479 : i32 to index
        %get3A_481 = arith.index_cast %scan3A_183 : i32 to index
        %get3A_482 = arith.constant 96 : index
        %get3A_483 = tpu.vector_load %arg12[%get3A_480, %get3A_481, %get3A_482] {strides = array<i32>} : memref<6x16x256xf32, #tpu.memory_space<vmem>>, vector<1x1x16xf32>,
        %get3A_484 = vector.shape_cast %get3A_483 : vector<1x1x16xf32> to vector<16xf32>
        %add3A_485 = arith.addf %add3A_478, %get3A_484 : vector<16xf32>
        %get3A_486 = arith.constant 4 : i32
        %get3A_487 = arith.index_cast %get3A_486 : i32 to index
        %get3A_488 = arith.index_cast %scan3A_183 : i32 to index
        %get3A_489 = arith.constant 96 : index
        %get3A_490 = tpu.vector_load %arg12[%get3A_487, %get3A_488, %get3A_489] {strides = array<i32>} : memref<6x16x256xf32, #tpu.memory_space<vmem>>, vector<1x1x16xf32>,
        %get3A_491 = vector.shape_cast %get3A_490 : vector<1x1x16xf32> to vector<16xf32>
        %add3A_492 = arith.addf %add3A_485, %get3A_491 : vector<16xf32>
        %get3A_493 = arith.constant 5 : i32
        %get3A_494 = arith.index_cast %get3A_493 : i32 to index
        %get3A_495 = arith.index_cast %scan3A_183 : i32 to index
        %get3A_496 = arith.constant 96 : index
        %get3A_497 = tpu.vector_load %arg12[%get3A_494, %get3A_495, %get3A_496] {strides = array<i32>} : memref<6x16x256xf32, #tpu.memory_space<vmem>>, vector<1x1x16xf32>,
        %get3A_498 = vector.shape_cast %get3A_497 : vector<1x1x16xf32> to vector<16xf32>
        %add3A_499 = arith.addf %add3A_492, %get3A_498 : vector<16xf32>
        %swap3A_500 = arith.index_cast %scan3A_183 : i32 to index
        %swap3A_501 = arith.constant 96 : index
        %swap3A_502 = tpu.vector_load %arg13[%swap3A_500, %swap3A_501] {strides = array<i32>} : memref<16x256xf32, #tpu.memory_space<vmem>>, vector<1x16xf32>,
        %swap3A_503 = vector.shape_cast %swap3A_502 : vector<1x16xf32> to vector<16xf32>
        %swap3A_504 = vector.shape_cast %add3A_499 : vector<16xf32> to vector<1x16xf32>
        tpu.vector_store %arg13[%swap3A_500, %swap3A_501], %swap3A_504 {strides = array<i32>} : memref<16x256xf32, #tpu.memory_space<vmem>>, vector<1x16xf32>,
        %get3A_505 = arith.constant 0 : i32
        %get3A_506 = arith.index_cast %get3A_505 : i32 to index
        %get3A_507 = arith.index_cast %scan3A_183 : i32 to index
        %get3A_508 = arith.constant 112 : index
        %get3A_509 = tpu.vector_load %arg12[%get3A_506, %get3A_507, %get3A_508] {strides = array<i32>} : memref<6x16x256xf32, #tpu.memory_space<vmem>>, vector<1x1x16xf32>,
        %get3A_510 = vector.shape_cast %get3A_509 : vector<1x1x16xf32> to vector<16xf32>
        %get3A_511 = arith.constant 1 : i32
        %get3A_512 = arith.index_cast %get3A_511 : i32 to index
        %get3A_513 = arith.index_cast %scan3A_183 : i32 to index
        %get3A_514 = arith.constant 112 : index
        %get3A_515 = tpu.vector_load %arg12[%get3A_512, %get3A_513, %get3A_514] {strides = array<i32>} : memref<6x16x256xf32, #tpu.memory_space<vmem>>, vector<1x1x16xf32>,
        %get3A_516 = vector.shape_cast %get3A_515 : vector<1x1x16xf32> to vector<16xf32>
        %add3A_517 = arith.addf %get3A_510, %get3A_516 : vector<16xf32>
        %get3A_518 = arith.constant 2 : i32
        %get3A_519 = arith.index_cast %get3A_518 : i32 to index
        %get3A_520 = arith.index_cast %scan3A_183 : i32 to index
        %get3A_521 = arith.constant 112 : index
        %get3A_522 = tpu.vector_load %arg12[%get3A_519, %get3A_520, %get3A_521] {strides = array<i32>} : memref<6x16x256xf32, #tpu.memory_space<vmem>>, vector<1x1x16xf32>,
        %get3A_523 = vector.shape_cast %get3A_522 : vector<1x1x16xf32> to vector<16xf32>
        %add3A_524 = arith.addf %add3A_517, %get3A_523 : vector<16xf32>
        %get3A_525 = arith.constant 3 : i32
        %get3A_526 = arith.index_cast %get3A_525 : i32 to index
        %get3A_527 = arith.index_cast %scan3A_183 : i32 to index
        %get3A_528 = arith.constant 112 : index
        %get3A_529 = tpu.vector_load %arg12[%get3A_526, %get3A_527, %get3A_528] {strides = array<i32>} : memref<6x16x256xf32, #tpu.memory_space<vmem>>, vector<1x1x16xf32>,
        %get3A_530 = vector.shape_cast %get3A_529 : vector<1x1x16xf32> to vector<16xf32>
        %add3A_531 = arith.addf %add3A_524, %get3A_530 : vector<16xf32>
        %get3A_532 = arith.constant 4 : i32
        %get3A_533 = arith.index_cast %get3A_532 : i32 to index
        %get3A_534 = arith.index_cast %scan3A_183 : i32 to index
        %get3A_535 = arith.constant 112 : index
        %get3A_536 = tpu.vector_load %arg12[%get3A_533, %get3A_534, %get3A_535] {strides = array<i32>} : memref<6x16x256xf32, #tpu.memory_space<vmem>>, vector<1x1x16xf32>,
        %get3A_537 = vector.shape_cast %get3A_536 : vector<1x1x16xf32> to vector<16xf32>
        %add3A_538 = arith.addf %add3A_531, %get3A_537 : vector<16xf32>
        %get3A_539 = arith.constant 5 : i32
        %get3A_540 = arith.index_cast %get3A_539 : i32 to index
        %get3A_541 = arith.index_cast %scan3A_183 : i32 to index
        %get3A_542 = arith.constant 112 : index
        %get3A_543 = tpu.vector_load %arg12[%get3A_540, %get3A_541, %get3A_542] {strides = array<i32>} : memref<6x16x256xf32, #tpu.memory_space<vmem>>, vector<1x1x16xf32>,
        %get3A_544 = vector.shape_cast %get3A_543 : vector<1x1x16xf32> to vector<16xf32>
        %add3A_545 = arith.addf %add3A_538, %get3A_544 : vector<16xf32>
        %swap3A_546 = arith.index_cast %scan3A_183 : i32 to index
        %swap3A_547 = arith.constant 112 : index
        %swap3A_548 = tpu.vector_load %arg13[%swap3A_546, %swap3A_547] {strides = array<i32>} : memref<16x256xf32, #tpu.memory_space<vmem>>, vector<1x16xf32>,
        %swap3A_549 = vector.shape_cast %swap3A_548 : vector<1x16xf32> to vector<16xf32>
        %swap3A_550 = vector.shape_cast %add3A_545 : vector<16xf32> to vector<1x16xf32>
        tpu.vector_store %arg13[%swap3A_546, %swap3A_547], %swap3A_550 {strides = array<i32>} : memref<16x256xf32, #tpu.memory_space<vmem>>, vector<1x16xf32>,
        %get3A_551 = arith.constant 0 : i32
        %get3A_552 = arith.index_cast %get3A_551 : i32 to index
        %get3A_553 = arith.index_cast %scan3A_183 : i32 to index
        %get3A_554 = arith.constant 128 : index
        %get3A_555 = tpu.vector_load %arg12[%get3A_552, %get3A_553, %get3A_554] {strides = array<i32>} : memref<6x16x256xf32, #tpu.memory_space<vmem>>, vector<1x1x16xf32>,
        %get3A_556 = vector.shape_cast %get3A_555 : vector<1x1x16xf32> to vector<16xf32>
        %get3A_557 = arith.constant 1 : i32
        %get3A_558 = arith.index_cast %get3A_557 : i32 to index
        %get3A_559 = arith.index_cast %scan3A_183 : i32 to index
        %get3A_560 = arith.constant 128 : index
        %get3A_561 = tpu.vector_load %arg12[%get3A_558, %get3A_559, %get3A_560] {strides = array<i32>} : memref<6x16x256xf32, #tpu.memory_space<vmem>>, vector<1x1x16xf32>,
        %get3A_562 = vector.shape_cast %get3A_561 : vector<1x1x16xf32> to vector<16xf32>
        %add3A_563 = arith.addf %get3A_556, %get3A_562 : vector<16xf32>
        %get3A_564 = arith.constant 2 : i32
        %get3A_565 = arith.index_cast %get3A_564 : i32 to index
        %get3A_566 = arith.index_cast %scan3A_183 : i32 to index
        %get3A_567 = arith.constant 128 : index
        %get3A_568 = tpu.vector_load %arg12[%get3A_565, %get3A_566, %get3A_567] {strides = array<i32>} : memref<6x16x256xf32, #tpu.memory_space<vmem>>, vector<1x1x16xf32>,
        %get3A_569 = vector.shape_cast %get3A_568 : vector<1x1x16xf32> to vector<16xf32>
        %add3A_570 = arith.addf %add3A_563, %get3A_569 : vector<16xf32>
        %get3A_571 = arith.constant 3 : i32
        %get3A_572 = arith.index_cast %get3A_571 : i32 to index
        %get3A_573 = arith.index_cast %scan3A_183 : i32 to index
        %get3A_574 = arith.constant 128 : index
        %get3A_575 = tpu.vector_load %arg12[%get3A_572, %get3A_573, %get3A_574] {strides = array<i32>} : memref<6x16x256xf32, #tpu.memory_space<vmem>>, vector<1x1x16xf32>,
        %get3A_576 = vector.shape_cast %get3A_575 : vector<1x1x16xf32> to vector<16xf32>
        %add3A_577 = arith.addf %add3A_570, %get3A_576 : vector<16xf32>
        %get3A_578 = arith.constant 4 : i32
        %get3A_579 = arith.index_cast %get3A_578 : i32 to index
        %get3A_580 = arith.index_cast %scan3A_183 : i32 to index
        %get3A_581 = arith.constant 128 : index
        %get3A_582 = tpu.vector_load %arg12[%get3A_579, %get3A_580, %get3A_581] {strides = array<i32>} : memref<6x16x256xf32, #tpu.memory_space<vmem>>, vector<1x1x16xf32>,
        %get3A_583 = vector.shape_cast %get3A_582 : vector<1x1x16xf32> to vector<16xf32>
        %add3A_584 = arith.addf %add3A_577, %get3A_583 : vector<16xf32>
        %get3A_585 = arith.constant 5 : i32
        %get3A_586 = arith.index_cast %get3A_585 : i32 to index
        %get3A_587 = arith.index_cast %scan3A_183 : i32 to index
        %get3A_588 = arith.constant 128 : index
        %get3A_589 = tpu.vector_load %arg12[%get3A_586, %get3A_587, %get3A_588] {strides = array<i32>} : memref<6x16x256xf32, #tpu.memory_space<vmem>>, vector<1x1x16xf32>,
        %get3A_590 = vector.shape_cast %get3A_589 : vector<1x1x16xf32> to vector<16xf32>
        %add3A_591 = arith.addf %add3A_584, %get3A_590 : vector<16xf32>
        %swap3A_592 = arith.index_cast %scan3A_183 : i32 to index
        %swap3A_593 = arith.constant 128 : index
        %swap3A_594 = tpu.vector_load %arg13[%swap3A_592, %swap3A_593] {strides = array<i32>} : memref<16x256xf32, #tpu.memory_space<vmem>>, vector<1x16xf32>,
        %swap3A_595 = vector.shape_cast %swap3A_594 : vector<1x16xf32> to vector<16xf32>
        %swap3A_596 = vector.shape_cast %add3A_591 : vector<16xf32> to vector<1x16xf32>
        tpu.vector_store %arg13[%swap3A_592, %swap3A_593], %swap3A_596 {strides = array<i32>} : memref<16x256xf32, #tpu.memory_space<vmem>>, vector<1x16xf32>,
        %get3A_597 = arith.constant 0 : i32
        %get3A_598 = arith.index_cast %get3A_597 : i32 to index
        %get3A_599 = arith.index_cast %scan3A_183 : i32 to index
        %get3A_600 = arith.constant 144 : index
        %get3A_601 = tpu.vector_load %arg12[%get3A_598, %get3A_599, %get3A_600] {strides = array<i32>} : memref<6x16x256xf32, #tpu.memory_space<vmem>>, vector<1x1x16xf32>,
        %get3A_602 = vector.shape_cast %get3A_601 : vector<1x1x16xf32> to vector<16xf32>
        %get3A_603 = arith.constant 1 : i32
        %get3A_604 = arith.index_cast %get3A_603 : i32 to index
        %get3A_605 = arith.index_cast %scan3A_183 : i32 to index
        %get3A_606 = arith.constant 144 : index
        %get3A_607 = tpu.vector_load %arg12[%get3A_604, %get3A_605, %get3A_606] {strides = array<i32>} : memref<6x16x256xf32, #tpu.memory_space<vmem>>, vector<1x1x16xf32>,
        %get3A_608 = vector.shape_cast %get3A_607 : vector<1x1x16xf32> to vector<16xf32>
        %add3A_609 = arith.addf %get3A_602, %get3A_608 : vector<16xf32>
        %get3A_610 = arith.constant 2 : i32
        %get3A_611 = arith.index_cast %get3A_610 : i32 to index
        %get3A_612 = arith.index_cast %scan3A_183 : i32 to index
        %get3A_613 = arith.constant 144 : index
        %get3A_614 = tpu.vector_load %arg12[%get3A_611, %get3A_612, %get3A_613] {strides = array<i32>} : memref<6x16x256xf32, #tpu.memory_space<vmem>>, vector<1x1x16xf32>,
        %get3A_615 = vector.shape_cast %get3A_614 : vector<1x1x16xf32> to vector<16xf32>
        %add3A_616 = arith.addf %add3A_609, %get3A_615 : vector<16xf32>
        %get3A_617 = arith.constant 3 : i32
        %get3A_618 = arith.index_cast %get3A_617 : i32 to index
        %get3A_619 = arith.index_cast %scan3A_183 : i32 to index
        %get3A_620 = arith.constant 144 : index
        %get3A_621 = tpu.vector_load %arg12[%get3A_618, %get3A_619, %get3A_620] {strides = array<i32>} : memref<6x16x256xf32, #tpu.memory_space<vmem>>, vector<1x1x16xf32>,
        %get3A_622 = vector.shape_cast %get3A_621 : vector<1x1x16xf32> to vector<16xf32>
        %add3A_623 = arith.addf %add3A_616, %get3A_622 : vector<16xf32>
        %get3A_624 = arith.constant 4 : i32
        %get3A_625 = arith.index_cast %get3A_624 : i32 to index
        %get3A_626 = arith.index_cast %scan3A_183 : i32 to index
        %get3A_627 = arith.constant 144 : index
        %get3A_628 = tpu.vector_load %arg12[%get3A_625, %get3A_626, %get3A_627] {strides = array<i32>} : memref<6x16x256xf32, #tpu.memory_space<vmem>>, vector<1x1x16xf32>,
        %get3A_629 = vector.shape_cast %get3A_628 : vector<1x1x16xf32> to vector<16xf32>
        %add3A_630 = arith.addf %add3A_623, %get3A_629 : vector<16xf32>
        %get3A_631 = arith.constant 5 : i32
        %get3A_632 = arith.index_cast %get3A_631 : i32 to index
        %get3A_633 = arith.index_cast %scan3A_183 : i32 to index
        %get3A_634 = arith.constant 144 : index
        %get3A_635 = tpu.vector_load %arg12[%get3A_632, %get3A_633, %get3A_634] {strides = array<i32>} : memref<6x16x256xf32, #tpu.memory_space<vmem>>, vector<1x1x16xf32>,
        %get3A_636 = vector.shape_cast %get3A_635 : vector<1x1x16xf32> to vector<16xf32>
        %add3A_637 = arith.addf %add3A_630, %get3A_636 : vector<16xf32>
        %swap3A_638 = arith.index_cast %scan3A_183 : i32 to index
        %swap3A_639 = arith.constant 144 : index
        %swap3A_640 = tpu.vector_load %arg13[%swap3A_638, %swap3A_639] {strides = array<i32>} : memref<16x256xf32, #tpu.memory_space<vmem>>, vector<1x16xf32>,
        %swap3A_641 = vector.shape_cast %swap3A_640 : vector<1x16xf32> to vector<16xf32>
        %swap3A_642 = vector.shape_cast %add3A_637 : vector<16xf32> to vector<1x16xf32>
        tpu.vector_store %arg13[%swap3A_638, %swap3A_639], %swap3A_642 {strides = array<i32>} : memref<16x256xf32, #tpu.memory_space<vmem>>, vector<1x16xf32>,
        %get3A_643 = arith.constant 0 : i32
        %get3A_644 = arith.index_cast %get3A_643 : i32 to index
        %get3A_645 = arith.index_cast %scan3A_183 : i32 to index
        %get3A_646 = arith.constant 160 : index
        %get3A_647 = tpu.vector_load %arg12[%get3A_644, %get3A_645, %get3A_646] {strides = array<i32>} : memref<6x16x256xf32, #tpu.memory_space<vmem>>, vector<1x1x16xf32>,
        %get3A_648 = vector.shape_cast %get3A_647 : vector<1x1x16xf32> to vector<16xf32>
        %get3A_649 = arith.constant 1 : i32
        %get3A_650 = arith.index_cast %get3A_649 : i32 to index
        %get3A_651 = arith.index_cast %scan3A_183 : i32 to index
        %get3A_652 = arith.constant 160 : index
        %get3A_653 = tpu.vector_load %arg12[%get3A_650, %get3A_651, %get3A_652] {strides = array<i32>} : memref<6x16x256xf32, #tpu.memory_space<vmem>>, vector<1x1x16xf32>,
        %get3A_654 = vector.shape_cast %get3A_653 : vector<1x1x16xf32> to vector<16xf32>
        %add3A_655 = arith.addf %get3A_648, %get3A_654 : vector<16xf32>
        %get3A_656 = arith.constant 2 : i32
        %get3A_657 = arith.index_cast %get3A_656 : i32 to index
        %get3A_658 = arith.index_cast %scan3A_183 : i32 to index
        %get3A_659 = arith.constant 160 : index
        %get3A_660 = tpu.vector_load %arg12[%get3A_657, %get3A_658, %get3A_659] {strides = array<i32>} : memref<6x16x256xf32, #tpu.memory_space<vmem>>, vector<1x1x16xf32>,
        %get3A_661 = vector.shape_cast %get3A_660 : vector<1x1x16xf32> to vector<16xf32>
        %add3A_662 = arith.addf %add3A_655, %get3A_661 : vector<16xf32>
        %get3A_663 = arith.constant 3 : i32
        %get3A_664 = arith.index_cast %get3A_663 : i32 to index
        %get3A_665 = arith.index_cast %scan3A_183 : i32 to index
        %get3A_666 = arith.constant 160 : index
        %get3A_667 = tpu.vector_load %arg12[%get3A_664, %get3A_665, %get3A_666] {strides = array<i32>} : memref<6x16x256xf32, #tpu.memory_space<vmem>>, vector<1x1x16xf32>,
        %get3A_668 = vector.shape_cast %get3A_667 : vector<1x1x16xf32> to vector<16xf32>
        %add3A_669 = arith.addf %add3A_662, %get3A_668 : vector<16xf32>
        %get3A_670 = arith.constant 4 : i32
        %get3A_671 = arith.index_cast %get3A_670 : i32 to index
        %get3A_672 = arith.index_cast %scan3A_183 : i32 to index
        %get3A_673 = arith.constant 160 : index
        %get3A_674 = tpu.vector_load %arg12[%get3A_671, %get3A_672, %get3A_673] {strides = array<i32>} : memref<6x16x256xf32, #tpu.memory_space<vmem>>, vector<1x1x16xf32>,
        %get3A_675 = vector.shape_cast %get3A_674 : vector<1x1x16xf32> to vector<16xf32>
        %add3A_676 = arith.addf %add3A_669, %get3A_675 : vector<16xf32>
        %get3A_677 = arith.constant 5 : i32
        %get3A_678 = arith.index_cast %get3A_677 : i32 to index
        %get3A_679 = arith.index_cast %scan3A_183 : i32 to index
        %get3A_680 = arith.constant 160 : index
        %get3A_681 = tpu.vector_load %arg12[%get3A_678, %get3A_679, %get3A_680] {strides = array<i32>} : memref<6x16x256xf32, #tpu.memory_space<vmem>>, vector<1x1x16xf32>,
        %get3A_682 = vector.shape_cast %get3A_681 : vector<1x1x16xf32> to vector<16xf32>
        %add3A_683 = arith.addf %add3A_676, %get3A_682 : vector<16xf32>
        %swap3A_684 = arith.index_cast %scan3A_183 : i32 to index
        %swap3A_685 = arith.constant 160 : index
        %swap3A_686 = tpu.vector_load %arg13[%swap3A_684, %swap3A_685] {strides = array<i32>} : memref<16x256xf32, #tpu.memory_space<vmem>>, vector<1x16xf32>,
        %swap3A_687 = vector.shape_cast %swap3A_686 : vector<1x16xf32> to vector<16xf32>
        %swap3A_688 = vector.shape_cast %add3A_683 : vector<16xf32> to vector<1x16xf32>
        tpu.vector_store %arg13[%swap3A_684, %swap3A_685], %swap3A_688 {strides = array<i32>} : memref<16x256xf32, #tpu.memory_space<vmem>>, vector<1x16xf32>,
        %get3A_689 = arith.constant 0 : i32
        %get3A_690 = arith.index_cast %get3A_689 : i32 to index
        %get3A_691 = arith.index_cast %scan3A_183 : i32 to index
        %get3A_692 = arith.constant 176 : index
        %get3A_693 = tpu.vector_load %arg12[%get3A_690, %get3A_691, %get3A_692] {strides = array<i32>} : memref<6x16x256xf32, #tpu.memory_space<vmem>>, vector<1x1x16xf32>,
        %get3A_694 = vector.shape_cast %get3A_693 : vector<1x1x16xf32> to vector<16xf32>
        %get3A_695 = arith.constant 1 : i32
        %get3A_696 = arith.index_cast %get3A_695 : i32 to index
        %get3A_697 = arith.index_cast %scan3A_183 : i32 to index
        %get3A_698 = arith.constant 176 : index
        %get3A_699 = tpu.vector_load %arg12[%get3A_696, %get3A_697, %get3A_698] {strides = array<i32>} : memref<6x16x256xf32, #tpu.memory_space<vmem>>, vector<1x1x16xf32>,
        %get3A_700 = vector.shape_cast %get3A_699 : vector<1x1x16xf32> to vector<16xf32>
        %add3A_701 = arith.addf %get3A_694, %get3A_700 : vector<16xf32>
        %get3A_702 = arith.constant 2 : i32
        %get3A_703 = arith.index_cast %get3A_702 : i32 to index
        %get3A_704 = arith.index_cast %scan3A_183 : i32 to index
        %get3A_705 = arith.constant 176 : index
        %get3A_706 = tpu.vector_load %arg12[%get3A_703, %get3A_704, %get3A_705] {strides = array<i32>} : memref<6x16x256xf32, #tpu.memory_space<vmem>>, vector<1x1x16xf32>,
        %get3A_707 = vector.shape_cast %get3A_706 : vector<1x1x16xf32> to vector<16xf32>
        %add3A_708 = arith.addf %add3A_701, %get3A_707 : vector<16xf32>
        %get3A_709 = arith.constant 3 : i32
        %get3A_710 = arith.index_cast %get3A_709 : i32 to index
        %get3A_711 = arith.index_cast %scan3A_183 : i32 to index
        %get3A_712 = arith.constant 176 : index
        %get3A_713 = tpu.vector_load %arg12[%get3A_710, %get3A_711, %get3A_712] {strides = array<i32>} : memref<6x16x256xf32, #tpu.memory_space<vmem>>, vector<1x1x16xf32>,
        %get3A_714 = vector.shape_cast %get3A_713 : vector<1x1x16xf32> to vector<16xf32>
        %add3A_715 = arith.addf %add3A_708, %get3A_714 : vector<16xf32>
        %get3A_716 = arith.constant 4 : i32
        %get3A_717 = arith.index_cast %get3A_716 : i32 to index
        %get3A_718 = arith.index_cast %scan3A_183 : i32 to index
        %get3A_719 = arith.constant 176 : index
        %get3A_720 = tpu.vector_load %arg12[%get3A_717, %get3A_718, %get3A_719] {strides = array<i32>} : memref<6x16x256xf32, #tpu.memory_space<vmem>>, vector<1x1x16xf32>,
        %get3A_721 = vector.shape_cast %get3A_720 : vector<1x1x16xf32> to vector<16xf32>
        %add3A_722 = arith.addf %add3A_715, %get3A_721 : vector<16xf32>
        %get3A_723 = arith.constant 5 : i32
        %get3A_724 = arith.index_cast %get3A_723 : i32 to index
        %get3A_725 = arith.index_cast %scan3A_183 : i32 to index
        %get3A_726 = arith.constant 176 : index
        %get3A_727 = tpu.vector_load %arg12[%get3A_724, %get3A_725, %get3A_726] {strides = array<i32>} : memref<6x16x256xf32, #tpu.memory_space<vmem>>, vector<1x1x16xf32>,
        %get3A_728 = vector.shape_cast %get3A_727 : vector<1x1x16xf32> to vector<16xf32>
        %add3A_729 = arith.addf %add3A_722, %get3A_728 : vector<16xf32>
        %swap3A_730 = arith.index_cast %scan3A_183 : i32 to index
        %swap3A_731 = arith.constant 176 : index
        %swap3A_732 = tpu.vector_load %arg13[%swap3A_730, %swap3A_731] {strides = array<i32>} : memref<16x256xf32, #tpu.memory_space<vmem>>, vector<1x16xf32>,
        %swap3A_733 = vector.shape_cast %swap3A_732 : vector<1x16xf32> to vector<16xf32>
        %swap3A_734 = vector.shape_cast %add3A_729 : vector<16xf32> to vector<1x16xf32>
        tpu.vector_store %arg13[%swap3A_730, %swap3A_731], %swap3A_734 {strides = array<i32>} : memref<16x256xf32, #tpu.memory_space<vmem>>, vector<1x16xf32>,
        %get3A_735 = arith.constant 0 : i32
        %get3A_736 = arith.index_cast %get3A_735 : i32 to index
        %get3A_737 = arith.index_cast %scan3A_183 : i32 to index
        %get3A_738 = arith.constant 192 : index
        %get3A_739 = tpu.vector_load %arg12[%get3A_736, %get3A_737, %get3A_738] {strides = array<i32>} : memref<6x16x256xf32, #tpu.memory_space<vmem>>, vector<1x1x16xf32>,
        %get3A_740 = vector.shape_cast %get3A_739 : vector<1x1x16xf32> to vector<16xf32>
        %get3A_741 = arith.constant 1 : i32
        %get3A_742 = arith.index_cast %get3A_741 : i32 to index
        %get3A_743 = arith.index_cast %scan3A_183 : i32 to index
        %get3A_744 = arith.constant 192 : index
        %get3A_745 = tpu.vector_load %arg12[%get3A_742, %get3A_743, %get3A_744] {strides = array<i32>} : memref<6x16x256xf32, #tpu.memory_space<vmem>>, vector<1x1x16xf32>,
        %get3A_746 = vector.shape_cast %get3A_745 : vector<1x1x16xf32> to vector<16xf32>
        %add3A_747 = arith.addf %get3A_740, %get3A_746 : vector<16xf32>
        %get3A_748 = arith.constant 2 : i32
        %get3A_749 = arith.index_cast %get3A_748 : i32 to index
        %get3A_750 = arith.index_cast %scan3A_183 : i32 to index
        %get3A_751 = arith.constant 192 : index
        %get3A_752 = tpu.vector_load %arg12[%get3A_749, %get3A_750, %get3A_751] {strides = array<i32>} : memref<6x16x256xf32, #tpu.memory_space<vmem>>, vector<1x1x16xf32>,
        %get3A_753 = vector.shape_cast %get3A_752 : vector<1x1x16xf32> to vector<16xf32>
        %add3A_754 = arith.addf %add3A_747, %get3A_753 : vector<16xf32>
        %get3A_755 = arith.constant 3 : i32
        %get3A_756 = arith.index_cast %get3A_755 : i32 to index
        %get3A_757 = arith.index_cast %scan3A_183 : i32 to index
        %get3A_758 = arith.constant 192 : index
        %get3A_759 = tpu.vector_load %arg12[%get3A_756, %get3A_757, %get3A_758] {strides = array<i32>} : memref<6x16x256xf32, #tpu.memory_space<vmem>>, vector<1x1x16xf32>,
        %get3A_760 = vector.shape_cast %get3A_759 : vector<1x1x16xf32> to vector<16xf32>
        %add3A_761 = arith.addf %add3A_754, %get3A_760 : vector<16xf32>
        %get3A_762 = arith.constant 4 : i32
        %get3A_763 = arith.index_cast %get3A_762 : i32 to index
        %get3A_764 = arith.index_cast %scan3A_183 : i32 to index
        %get3A_765 = arith.constant 192 : index
        %get3A_766 = tpu.vector_load %arg12[%get3A_763, %get3A_764, %get3A_765] {strides = array<i32>} : memref<6x16x256xf32, #tpu.memory_space<vmem>>, vector<1x1x16xf32>,
        %get3A_767 = vector.shape_cast %get3A_766 : vector<1x1x16xf32> to vector<16xf32>
        %add3A_768 = arith.addf %add3A_761, %get3A_767 : vector<16xf32>
        %get3A_769 = arith.constant 5 : i32
        %get3A_770 = arith.index_cast %get3A_769 : i32 to index
        %get3A_771 = arith.index_cast %scan3A_183 : i32 to index
        %get3A_772 = arith.constant 192 : index
        %get3A_773 = tpu.vector_load %arg12[%get3A_770, %get3A_771, %get3A_772] {strides = array<i32>} : memref<6x16x256xf32, #tpu.memory_space<vmem>>, vector<1x1x16xf32>,
        %get3A_774 = vector.shape_cast %get3A_773 : vector<1x1x16xf32> to vector<16xf32>
        %add3A_775 = arith.addf %add3A_768, %get3A_774 : vector<16xf32>
        %swap3A_776 = arith.index_cast %scan3A_183 : i32 to index
        %swap3A_777 = arith.constant 192 : index
        %swap3A_778 = tpu.vector_load %arg13[%swap3A_776, %swap3A_777] {strides = array<i32>} : memref<16x256xf32, #tpu.memory_space<vmem>>, vector<1x16xf32>,
        %swap3A_779 = vector.shape_cast %swap3A_778 : vector<1x16xf32> to vector<16xf32>
        %swap3A_780 = vector.shape_cast %add3A_775 : vector<16xf32> to vector<1x16xf32>
        tpu.vector_store %arg13[%swap3A_776, %swap3A_777], %swap3A_780 {strides = array<i32>} : memref<16x256xf32, #tpu.memory_space<vmem>>, vector<1x16xf32>,
        %get3A_781 = arith.constant 0 : i32
        %get3A_782 = arith.index_cast %get3A_781 : i32 to index
        %get3A_783 = arith.index_cast %scan3A_183 : i32 to index
        %get3A_784 = arith.constant 208 : index
        %get3A_785 = tpu.vector_load %arg12[%get3A_782, %get3A_783, %get3A_784] {strides = array<i32>} : memref<6x16x256xf32, #tpu.memory_space<vmem>>, vector<1x1x16xf32>,
        %get3A_786 = vector.shape_cast %get3A_785 : vector<1x1x16xf32> to vector<16xf32>
        %get3A_787 = arith.constant 1 : i32
        %get3A_788 = arith.index_cast %get3A_787 : i32 to index
        %get3A_789 = arith.index_cast %scan3A_183 : i32 to index
        %get3A_790 = arith.constant 208 : index
        %get3A_791 = tpu.vector_load %arg12[%get3A_788, %get3A_789, %get3A_790] {strides = array<i32>} : memref<6x16x256xf32, #tpu.memory_space<vmem>>, vector<1x1x16xf32>,
        %get3A_792 = vector.shape_cast %get3A_791 : vector<1x1x16xf32> to vector<16xf32>
        %add3A_793 = arith.addf %get3A_786, %get3A_792 : vector<16xf32>
        %get3A_794 = arith.constant 2 : i32
        %get3A_795 = arith.index_cast %get3A_794 : i32 to index
        %get3A_796 = arith.index_cast %scan3A_183 : i32 to index
        %get3A_797 = arith.constant 208 : index
        %get3A_798 = tpu.vector_load %arg12[%get3A_795, %get3A_796, %get3A_797] {strides = array<i32>} : memref<6x16x256xf32, #tpu.memory_space<vmem>>, vector<1x1x16xf32>,
        %get3A_799 = vector.shape_cast %get3A_798 : vector<1x1x16xf32> to vector<16xf32>
        %add3A_800 = arith.addf %add3A_793, %get3A_799 : vector<16xf32>
        %get3A_801 = arith.constant 3 : i32
        %get3A_802 = arith.index_cast %get3A_801 : i32 to index
        %get3A_803 = arith.index_cast %scan3A_183 : i32 to index
        %get3A_804 = arith.constant 208 : index
        %get3A_805 = tpu.vector_load %arg12[%get3A_802, %get3A_803, %get3A_804] {strides = array<i32>} : memref<6x16x256xf32, #tpu.memory_space<vmem>>, vector<1x1x16xf32>,
        %get3A_806 = vector.shape_cast %get3A_805 : vector<1x1x16xf32> to vector<16xf32>
        %add3A_807 = arith.addf %add3A_800, %get3A_806 : vector<16xf32>
        %get3A_808 = arith.constant 4 : i32
        %get3A_809 = arith.index_cast %get3A_808 : i32 to index
        %get3A_810 = arith.index_cast %scan3A_183 : i32 to index
        %get3A_811 = arith.constant 208 : index
        %get3A_812 = tpu.vector_load %arg12[%get3A_809, %get3A_810, %get3A_811] {strides = array<i32>} : memref<6x16x256xf32, #tpu.memory_space<vmem>>, vector<1x1x16xf32>,
        %get3A_813 = vector.shape_cast %get3A_812 : vector<1x1x16xf32> to vector<16xf32>
        %add3A_814 = arith.addf %add3A_807, %get3A_813 : vector<16xf32>
        %get3A_815 = arith.constant 5 : i32
        %get3A_816 = arith.index_cast %get3A_815 : i32 to index
        %get3A_817 = arith.index_cast %scan3A_183 : i32 to index
        %get3A_818 = arith.constant 208 : index
        %get3A_819 = tpu.vector_load %arg12[%get3A_816, %get3A_817, %get3A_818] {strides = array<i32>} : memref<6x16x256xf32, #tpu.memory_space<vmem>>, vector<1x1x16xf32>,
        %get3A_820 = vector.shape_cast %get3A_819 : vector<1x1x16xf32> to vector<16xf32>
        %add3A_821 = arith.addf %add3A_814, %get3A_820 : vector<16xf32>
        %swap3A_822 = arith.index_cast %scan3A_183 : i32 to index
        %swap3A_823 = arith.constant 208 : index
        %swap3A_824 = tpu.vector_load %arg13[%swap3A_822, %swap3A_823] {strides = array<i32>} : memref<16x256xf32, #tpu.memory_space<vmem>>, vector<1x16xf32>,
        %swap3A_825 = vector.shape_cast %swap3A_824 : vector<1x16xf32> to vector<16xf32>
        %swap3A_826 = vector.shape_cast %add3A_821 : vector<16xf32> to vector<1x16xf32>
        tpu.vector_store %arg13[%swap3A_822, %swap3A_823], %swap3A_826 {strides = array<i32>} : memref<16x256xf32, #tpu.memory_space<vmem>>, vector<1x16xf32>,
        %get3A_827 = arith.constant 0 : i32
        %get3A_828 = arith.index_cast %get3A_827 : i32 to index
        %get3A_829 = arith.index_cast %scan3A_183 : i32 to index
        %get3A_830 = arith.constant 224 : index
        %get3A_831 = tpu.vector_load %arg12[%get3A_828, %get3A_829, %get3A_830] {strides = array<i32>} : memref<6x16x256xf32, #tpu.memory_space<vmem>>, vector<1x1x16xf32>,
        %get3A_832 = vector.shape_cast %get3A_831 : vector<1x1x16xf32> to vector<16xf32>
        %get3A_833 = arith.constant 1 : i32
        %get3A_834 = arith.index_cast %get3A_833 : i32 to index
        %get3A_835 = arith.index_cast %scan3A_183 : i32 to index
        %get3A_836 = arith.constant 224 : index
        %get3A_837 = tpu.vector_load %arg12[%get3A_834, %get3A_835, %get3A_836] {strides = array<i32>} : memref<6x16x256xf32, #tpu.memory_space<vmem>>, vector<1x1x16xf32>,
        %get3A_838 = vector.shape_cast %get3A_837 : vector<1x1x16xf32> to vector<16xf32>
        %add3A_839 = arith.addf %get3A_832, %get3A_838 : vector<16xf32>
        %get3A_840 = arith.constant 2 : i32
        %get3A_841 = arith.index_cast %get3A_840 : i32 to index
        %get3A_842 = arith.index_cast %scan3A_183 : i32 to index
        %get3A_843 = arith.constant 224 : index
        %get3A_844 = tpu.vector_load %arg12[%get3A_841, %get3A_842, %get3A_843] {strides = array<i32>} : memref<6x16x256xf32, #tpu.memory_space<vmem>>, vector<1x1x16xf32>,
        %get3A_845 = vector.shape_cast %get3A_844 : vector<1x1x16xf32> to vector<16xf32>
        %add3A_846 = arith.addf %add3A_839, %get3A_845 : vector<16xf32>
        %get3A_847 = arith.constant 3 : i32
        %get3A_848 = arith.index_cast %get3A_847 : i32 to index
        %get3A_849 = arith.index_cast %scan3A_183 : i32 to index
        %get3A_850 = arith.constant 224 : index
        %get3A_851 = tpu.vector_load %arg12[%get3A_848, %get3A_849, %get3A_850] {strides = array<i32>} : memref<6x16x256xf32, #tpu.memory_space<vmem>>, vector<1x1x16xf32>,
        %get3A_852 = vector.shape_cast %get3A_851 : vector<1x1x16xf32> to vector<16xf32>
        %add3A_853 = arith.addf %add3A_846, %get3A_852 : vector<16xf32>
        %get3A_854 = arith.constant 4 : i32
        %get3A_855 = arith.index_cast %get3A_854 : i32 to index
        %get3A_856 = arith.index_cast %scan3A_183 : i32 to index
        %get3A_857 = arith.constant 224 : index
        %get3A_858 = tpu.vector_load %arg12[%get3A_855, %get3A_856, %get3A_857] {strides = array<i32>} : memref<6x16x256xf32, #tpu.memory_space<vmem>>, vector<1x1x16xf32>,
        %get3A_859 = vector.shape_cast %get3A_858 : vector<1x1x16xf32> to vector<16xf32>
        %add3A_860 = arith.addf %add3A_853, %get3A_859 : vector<16xf32>
        %get3A_861 = arith.constant 5 : i32
        %get3A_862 = arith.index_cast %get3A_861 : i32 to index
        %get3A_863 = arith.index_cast %scan3A_183 : i32 to index
        %get3A_864 = arith.constant 224 : index
        %get3A_865 = tpu.vector_load %arg12[%get3A_862, %get3A_863, %get3A_864] {strides = array<i32>} : memref<6x16x256xf32, #tpu.memory_space<vmem>>, vector<1x1x16xf32>,
        %get3A_866 = vector.shape_cast %get3A_865 : vector<1x1x16xf32> to vector<16xf32>
        %add3A_867 = arith.addf %add3A_860, %get3A_866 : vector<16xf32>
        %swap3A_868 = arith.index_cast %scan3A_183 : i32 to index
        %swap3A_869 = arith.constant 224 : index
        %swap3A_870 = tpu.vector_load %arg13[%swap3A_868, %swap3A_869] {strides = array<i32>} : memref<16x256xf32, #tpu.memory_space<vmem>>, vector<1x16xf32>,
        %swap3A_871 = vector.shape_cast %swap3A_870 : vector<1x16xf32> to vector<16xf32>
        %swap3A_872 = vector.shape_cast %add3A_867 : vector<16xf32> to vector<1x16xf32>
        tpu.vector_store %arg13[%swap3A_868, %swap3A_869], %swap3A_872 {strides = array<i32>} : memref<16x256xf32, #tpu.memory_space<vmem>>, vector<1x16xf32>,
        %get3A_873 = arith.constant 0 : i32
        %get3A_874 = arith.index_cast %get3A_873 : i32 to index
        %get3A_875 = arith.index_cast %scan3A_183 : i32 to index
        %get3A_876 = arith.constant 240 : index
        %get3A_877 = tpu.vector_load %arg12[%get3A_874, %get3A_875, %get3A_876] {strides = array<i32>} : memref<6x16x256xf32, #tpu.memory_space<vmem>>, vector<1x1x16xf32>,
        %get3A_878 = vector.shape_cast %get3A_877 : vector<1x1x16xf32> to vector<16xf32>
        %get3A_879 = arith.constant 1 : i32
        %get3A_880 = arith.index_cast %get3A_879 : i32 to index
        %get3A_881 = arith.index_cast %scan3A_183 : i32 to index
        %get3A_882 = arith.constant 240 : index
        %get3A_883 = tpu.vector_load %arg12[%get3A_880, %get3A_881, %get3A_882] {strides = array<i32>} : memref<6x16x256xf32, #tpu.memory_space<vmem>>, vector<1x1x16xf32>,
        %get3A_884 = vector.shape_cast %get3A_883 : vector<1x1x16xf32> to vector<16xf32>
        %add3A_885 = arith.addf %get3A_878, %get3A_884 : vector<16xf32>
        %get3A_886 = arith.constant 2 : i32
        %get3A_887 = arith.index_cast %get3A_886 : i32 to index
        %get3A_888 = arith.index_cast %scan3A_183 : i32 to index
        %get3A_889 = arith.constant 240 : index
        %get3A_890 = tpu.vector_load %arg12[%get3A_887, %get3A_888, %get3A_889] {strides = array<i32>} : memref<6x16x256xf32, #tpu.memory_space<vmem>>, vector<1x1x16xf32>,
        %get3A_891 = vector.shape_cast %get3A_890 : vector<1x1x16xf32> to vector<16xf32>
        %add3A_892 = arith.addf %add3A_885, %get3A_891 : vector<16xf32>
        %get3A_893 = arith.constant 3 : i32
        %get3A_894 = arith.index_cast %get3A_893 : i32 to index
        %get3A_895 = arith.index_cast %scan3A_183 : i32 to index
        %get3A_896 = arith.constant 240 : index
        %get3A_897 = tpu.vector_load %arg12[%get3A_894, %get3A_895, %get3A_896] {strides = array<i32>} : memref<6x16x256xf32, #tpu.memory_space<vmem>>, vector<1x1x16xf32>,
        %get3A_898 = vector.shape_cast %get3A_897 : vector<1x1x16xf32> to vector<16xf32>
        %add3A_899 = arith.addf %add3A_892, %get3A_898 : vector<16xf32>
        %get3A_900 = arith.constant 4 : i32
        %get3A_901 = arith.index_cast %get3A_900 : i32 to index
        %get3A_902 = arith.index_cast %scan3A_183 : i32 to index
        %get3A_903 = arith.constant 240 : index
        %get3A_904 = tpu.vector_load %arg12[%get3A_901, %get3A_902, %get3A_903] {strides = array<i32>} : memref<6x16x256xf32, #tpu.memory_space<vmem>>, vector<1x1x16xf32>,
        %get3A_905 = vector.shape_cast %get3A_904 : vector<1x1x16xf32> to vector<16xf32>
        %add3A_906 = arith.addf %add3A_899, %get3A_905 : vector<16xf32>
        %get3A_907 = arith.constant 5 : i32
        %get3A_908 = arith.index_cast %get3A_907 : i32 to index
        %get3A_909 = arith.index_cast %scan3A_183 : i32 to index
        %get3A_910 = arith.constant 240 : index
        %get3A_911 = tpu.vector_load %arg12[%get3A_908, %get3A_909, %get3A_910] {strides = array<i32>} : memref<6x16x256xf32, #tpu.memory_space<vmem>>, vector<1x1x16xf32>,
        %get3A_912 = vector.shape_cast %get3A_911 : vector<1x1x16xf32> to vector<16xf32>
        %add3A_913 = arith.addf %add3A_906, %get3A_912 : vector<16xf32>
        %swap3A_914 = arith.index_cast %scan3A_183 : i32 to index
        %swap3A_915 = arith.constant 240 : index
        %swap3A_916 = tpu.vector_load %arg13[%swap3A_914, %swap3A_915] {strides = array<i32>} : memref<16x256xf32, #tpu.memory_space<vmem>>, vector<1x16xf32>,
        %swap3A_917 = vector.shape_cast %swap3A_916 : vector<1x16xf32> to vector<16xf32>
        %swap3A_918 = vector.shape_cast %add3A_913 : vector<16xf32> to vector<1x16xf32>
        tpu.vector_store %arg13[%swap3A_914, %swap3A_915], %swap3A_918 {strides = array<i32>} : memref<16x256xf32, #tpu.memory_space<vmem>>, vector<1x16xf32>,
        %scan3A_919 = arith.constant 0 : i32
        scf.yield %scan3A_919 : i32
      }
      %scan3A_180 = arith.constant 16 : i32
      %add3A_181 = arith.addi %mul3A_4, %multiple_of3A_35 : i32
      "tpu.region"() ({
        %run_scoped3A = tpu.sem_alloc : memref<!tpu.dma_semaphore, #tpu.memory_space<semaphore_mem>>
        %dma_start3A_183 = arith.constant 0 : i32
        %dma_start3A_184 = tpu.memref_slice %arg7[%add3A_181, %dma_start3A_183] : memref<2560x256xf32, #tpu.memory_space<hbm>> -> memref<16x256xf32, #tpu.memory_space<hbm>>
        %dma_start3A_185 = arith.constant 0 : i32
        %dma_start3A_186 = tpu.memref_slice %arg7[%add3A_181, %dma_start3A_185] : memref<2560x256xf32, #tpu.memory_space<hbm>> -> memref<16x256xf32, #tpu.memory_space<hbm>>
        tpu.enqueue_dma source(%arg13 : memref<16x256xf32, #tpu.memory_space<vmem>>) target(%dma_start3A_186 : memref<16x256xf32, #tpu.memory_space<hbm>>) target_semaphore(%run_scoped3A : memref<!tpu.dma_semaphore, #tpu.memory_space<semaphore_mem>>)
        %dma_wait3A_187 = arith.constant 0 : i32
        %dma_wait3A_188 = tpu.memref_slice %arg7[%add3A_181, %dma_wait3A_187] : memref<2560x256xf32, #tpu.memory_space<hbm>> -> memref<16x256xf32, #tpu.memory_space<hbm>>
        %dma_wait3A_189 = arith.constant 0 : i32
        %dma_wait3A_190 = tpu.memref_slice %arg7[%add3A_181, %dma_wait3A_189] : memref<2560x256xf32, #tpu.memory_space<hbm>> -> memref<16x256xf32, #tpu.memory_space<hbm>>
        tpu.wait_dma2 semaphore(%run_scoped3A : memref<!tpu.dma_semaphore, #tpu.memory_space<semaphore_mem>>) src(%arg13 : memref<16x256xf32, #tpu.memory_space<vmem>>) dst(%dma_wait3A_190 : memref<16x256xf32, #tpu.memory_space<hbm>>)
        tpu.yield
      }) : () -> ()
      %scan3A_182 = arith.constant 0 : i32
      scf.yield %scan3A_182 : i32
    }
    %scan3A_10 = arith.constant 5 : i32
    %multiple_of3A = arith.constant 0 : i32
    %multiple_of3A_11 = tpu.assume_multiple %multiple_of3A, 64 : i32
    %dma_start3A = tpu.memref_slice %arg8[%multiple_of3A_11] : memref<3200xi32, #tpu.memory_space<vmem>> -> memref<64xi32, #tpu.memory_space<vmem>>
    %dma_start3A_12 = arith.constant 0 : i32
    %dma_start3A_13 = arith.constant 0 : i32
    %dma_start3A_14 = arith.constant 0 : i32
    %dma_start3A_15 = tpu.memref_slice %arg4[%dma_start3A_12, %dma_start3A_13, %dma_start3A_14] : memref<7x2x256xf32, #tpu.memory_space<hbm>> -> memref<7x2x256xf32, #tpu.memory_space<hbm>>
    tpu.enqueue_indirect_dma source(%dma_start3A_15 : memref<7x2x256xf32, #tpu.memory_space<hbm>>) target(%arg9 : memref<64x2x256xf32, #tpu.memory_space<vmem>>) offsets(%dma_start3A : memref<64xi32, #tpu.memory_space<vmem>>) semaphore(%arg14 : memref<!tpu.dma_semaphore, #tpu.memory_space<semaphore_mem>>)
    %scan3A_16 = arith.constant 0 : i32
    %scan3A_17 = arith.constant 0 : i32
    %scan3A_18 = arith.constant 25 : i32
    %scan3A_19 = arith.addi %scan3A_17, %scan3A_18 : i32
    %scan3A_20 = arith.constant 1 : i32
    %scan3A_21 = scf.for %scan3A_31 = %scan3A_17 to %scan3A_19 step %scan3A_20 iter_args(%scan3A_32 = %scan3A_16) -> (i32)  : i32 {
      %mul3A_33 = arith.constant 2 : i32
      %mul3A_34 = arith.muli %scan3A_31, %mul3A_33 : i32
      %multiple_of3A_35 = tpu.assume_multiple %mul3A_34, 2 : i32
      %add3A_36 = arith.constant 1 : i32
      %add3A_37 = arith.addi %multiple_of3A_35, %add3A_36 : i32
      %mul3A_38 = arith.constant 64 : i32
      %mul3A_39 = arith.muli %multiple_of3A_35, %mul3A_38 : i32
      %multiple_of3A_40 = tpu.assume_multiple %mul3A_39, 64 : i32
      %dma_wait3A_41 = tpu.memref_slice %arg8[%multiple_of3A_40] : memref<3200xi32, #tpu.memory_space<vmem>> -> memref<64xi32, #tpu.memory_space<vmem>>
      %dma_wait3A_42 = arith.constant 0 : i32
      %dma_wait3A_43 = arith.constant 0 : i32
      %dma_wait3A_44 = arith.constant 0 : i32
      %dma_wait3A_45 = tpu.memref_slice %arg4[%dma_wait3A_42, %dma_wait3A_43, %dma_wait3A_44] : memref<7x2x256xf32, #tpu.memory_space<hbm>> -> memref<7x2x256xf32, #tpu.memory_space<hbm>>
      tpu.wait_indirect_dma semaphore(%arg14 : memref<!tpu.dma_semaphore, #tpu.memory_space<semaphore_mem>>) src(%dma_wait3A_45 : memref<7x2x256xf32, #tpu.memory_space<hbm>>) dst(%arg9 : memref<64x2x256xf32, #tpu.memory_space<vmem>>)
      %gt3A = arith.constant 0 : i32
      %gt3A_46 = arith.cmpi sgt, %scan3A_31, %gt3A : i32
      %convert_element_type3A = arith.extui %gt3A_46 : i1 to i32
      %cond3A = arith.constant 0 : i32
      %cond3A_47 = arith.cmpi ne, %convert_element_type3A, %cond3A : i32
      scf.if %cond3A_47 {
        %sub3A = arith.constant 1 : i32
        %sub3A_101 = arith.subi %multiple_of3A_35, %sub3A : i32
        %mul3A_102 = arith.constant 64 : i32
        %mul3A_103 = arith.muli %sub3A_101, %mul3A_102 : i32
        %add3A_104 = arith.addi %mul3A_2, %mul3A_103 : i32
        %multiple_of3A_105 = tpu.assume_multiple %add3A_104, 64 : i32
        %dma_wait3A_106 = arith.constant 0 : i32
        %dma_wait3A_107 = arith.constant 0 : i32
        %dma_wait3A_108 = tpu.memref_slice %arg6[%multiple_of3A_105, %dma_wait3A_106, %dma_wait3A_107] : memref<102400x2x256xf32, #tpu.memory_space<hbm>> -> memref<64x2x256xf32, #tpu.memory_space<hbm>>
        %dma_wait3A_109 = arith.constant 0 : i32
        %dma_wait3A_110 = arith.constant 0 : i32
        %dma_wait3A_111 = tpu.memref_slice %arg6[%multiple_of3A_105, %dma_wait3A_109, %dma_wait3A_110] : memref<102400x2x256xf32, #tpu.memory_space<hbm>> -> memref<64x2x256xf32, #tpu.memory_space<hbm>>
        tpu.wait_dma2 semaphore(%arg15 : memref<!tpu.dma_semaphore, #tpu.memory_space<semaphore_mem>>) src(%arg10 : memref<64x2x256xf32, #tpu.memory_space<vmem>>) dst(%dma_wait3A_111 : memref<64x2x256xf32, #tpu.memory_space<hbm>>)
      } else {
      }
      %mul3A_48 = arith.constant 64 : i32
      %mul3A_49 = arith.muli %add3A_37, %mul3A_48 : i32
      %multiple_of3A_50 = tpu.assume_multiple %mul3A_49, 64 : i32
      %dma_start3A_51 = tpu.memref_slice %arg8[%multiple_of3A_50] : memref<3200xi32, #tpu.memory_space<vmem>> -> memref<64xi32, #tpu.memory_space<vmem>>
      %dma_start3A_52 = arith.constant 0 : i32
      %dma_start3A_53 = arith.constant 0 : i32
      %dma_start3A_54 = arith.constant 0 : i32
      %dma_start3A_55 = tpu.memref_slice %arg4[%dma_start3A_52, %dma_start3A_53, %dma_start3A_54] : memref<7x2x256xf32, #tpu.memory_space<hbm>> -> memref<7x2x256xf32, #tpu.memory_space<hbm>>
      tpu.enqueue_indirect_dma source(%dma_start3A_55 : memref<7x2x256xf32, #tpu.memory_space<hbm>>) target(%arg10 : memref<64x2x256xf32, #tpu.memory_space<vmem>>) offsets(%dma_start3A_51 : memref<64xi32, #tpu.memory_space<vmem>>) semaphore(%arg14 : memref<!tpu.dma_semaphore, #tpu.memory_space<semaphore_mem>>)
      %mul3A_56 = arith.constant 64 : i32
      %mul3A_57 = arith.muli %multiple_of3A_35, %mul3A_56 : i32
      %add3A_58 = arith.addi %mul3A_2, %mul3A_57 : i32
      %multiple_of3A_59 = tpu.assume_multiple %add3A_58, 64 : i32
      %dma_start3A_60 = arith.constant 0 : i32
      %dma_start3A_61 = arith.constant 0 : i32
      %dma_start3A_62 = tpu.memref_slice %arg6[%multiple_of3A_59, %dma_start3A_60, %dma_start3A_61] : memref<102400x2x256xf32, #tpu.memory_space<hbm>> -> memref<64x2x256xf32, #tpu.memory_space<hbm>>
      %dma_start3A_63 = arith.constant 0 : i32
      %dma_start3A_64 = arith.constant 0 : i32
      %dma_start3A_65 = tpu.memref_slice %arg6[%multiple_of3A_59, %dma_start3A_63, %dma_start3A_64] : memref<102400x2x256xf32, #tpu.memory_space<hbm>> -> memref<64x2x256xf32, #tpu.memory_space<hbm>>
      tpu.enqueue_dma source(%arg9 : memref<64x2x256xf32, #tpu.memory_space<vmem>>) target(%dma_start3A_65 : memref<64x2x256xf32, #tpu.memory_space<hbm>>) target_semaphore(%arg15 : memref<!tpu.dma_semaphore, #tpu.memory_space<semaphore_mem>>)
      %mul3A_66 = arith.constant 64 : i32
      %mul3A_67 = arith.muli %add3A_37, %mul3A_66 : i32
      %multiple_of3A_68 = tpu.assume_multiple %mul3A_67, 64 : i32
      %dma_wait3A_69 = tpu.memref_slice %arg8[%multiple_of3A_68] : memref<3200xi32, #tpu.memory_space<vmem>> -> memref<64xi32, #tpu.memory_space<vmem>>
      %dma_wait3A_70 = arith.constant 0 : i32
      %dma_wait3A_71 = arith.constant 0 : i32
      %dma_wait3A_72 = arith.constant 0 : i32
      %dma_wait3A_73 = tpu.memref_slice %arg4[%dma_wait3A_70, %dma_wait3A_71, %dma_wait3A_72] : memref<7x2x256xf32, #tpu.memory_space<hbm>> -> memref<7x2x256xf32, #tpu.memory_space<hbm>>
      tpu.wait_indirect_dma semaphore(%arg14 : memref<!tpu.dma_semaphore, #tpu.memory_space<semaphore_mem>>) src(%dma_wait3A_73 : memref<7x2x256xf32, #tpu.memory_space<hbm>>) dst(%arg10 : memref<64x2x256xf32, #tpu.memory_space<vmem>>)
      %mul3A_74 = arith.constant 64 : i32
      %mul3A_75 = arith.muli %multiple_of3A_35, %mul3A_74 : i32
      %add3A_76 = arith.addi %mul3A_2, %mul3A_75 : i32
      %multiple_of3A_77 = tpu.assume_multiple %add3A_76, 64 : i32
      %dma_wait3A_78 = arith.constant 0 : i32
      %dma_wait3A_79 = arith.constant 0 : i32
      %dma_wait3A_80 = tpu.memref_slice %arg6[%multiple_of3A_77, %dma_wait3A_78, %dma_wait3A_79] : memref<102400x2x256xf32, #tpu.memory_space<hbm>> -> memref<64x2x256xf32, #tpu.memory_space<hbm>>
      %dma_wait3A_81 = arith.constant 0 : i32
      %dma_wait3A_82 = arith.constant 0 : i32
      %dma_wait3A_83 = tpu.memref_slice %arg6[%multiple_of3A_77, %dma_wait3A_81, %dma_wait3A_82] : memref<102400x2x256xf32, #tpu.memory_space<hbm>> -> memref<64x2x256xf32, #tpu.memory_space<hbm>>
      tpu.wait_dma2 semaphore(%arg15 : memref<!tpu.dma_semaphore, #tpu.memory_space<semaphore_mem>>) src(%arg9 : memref<64x2x256xf32, #tpu.memory_space<vmem>>) dst(%dma_wait3A_83 : memref<64x2x256xf32, #tpu.memory_space<hbm>>)
      %add3A_84 = arith.constant 1 : i32
      %add3A_85 = arith.addi %add3A_37, %add3A_84 : i32
      %lt3A = arith.constant 50 : i32
      %lt3A_86 = arith.cmpi slt, %add3A_85, %lt3A : i32
      %convert_element_type3A_87 = arith.extui %lt3A_86 : i1 to i32
      %cond3A_88 = arith.constant 0 : i32
      %cond3A_89 = arith.cmpi ne, %convert_element_type3A_87, %cond3A_88 : i32
      scf.if %cond3A_89 {
        %add3A_101 = arith.constant 1 : i32
        %add3A_102 = arith.addi %add3A_37, %add3A_101 : i32
        %mul3A_103 = arith.constant 64 : i32
        %mul3A_104 = arith.muli %add3A_102, %mul3A_103 : i32
        %multiple_of3A_105 = tpu.assume_multiple %mul3A_104, 64 : i32
        %dma_start3A_106 = tpu.memref_slice %arg8[%multiple_of3A_105] : memref<3200xi32, #tpu.memory_space<vmem>> -> memref<64xi32, #tpu.memory_space<vmem>>
        %dma_start3A_107 = arith.constant 0 : i32
        %dma_start3A_108 = arith.constant 0 : i32
        %dma_start3A_109 = arith.constant 0 : i32
        %dma_start3A_110 = tpu.memref_slice %arg4[%dma_start3A_107, %dma_start3A_108, %dma_start3A_109] : memref<7x2x256xf32, #tpu.memory_space<hbm>> -> memref<7x2x256xf32, #tpu.memory_space<hbm>>
        tpu.enqueue_indirect_dma source(%dma_start3A_110 : memref<7x2x256xf32, #tpu.memory_space<hbm>>) target(%arg9 : memref<64x2x256xf32, #tpu.memory_space<vmem>>) offsets(%dma_start3A_106 : memref<64xi32, #tpu.memory_space<vmem>>) semaphore(%arg14 : memref<!tpu.dma_semaphore, #tpu.memory_space<semaphore_mem>>)
      } else {
      }
      %mul3A_90 = arith.constant 64 : i32
      %mul3A_91 = arith.muli %add3A_37, %mul3A_90 : i32
      %add3A_92 = arith.addi %mul3A_2, %mul3A_91 : i32
      %multiple_of3A_93 = tpu.assume_multiple %add3A_92, 64 : i32
      %dma_start3A_94 = arith.constant 0 : i32
      %dma_start3A_95 = arith.constant 0 : i32
      %dma_start3A_96 = tpu.memref_slice %arg6[%multiple_of3A_93, %dma_start3A_94, %dma_start3A_95] : memref<102400x2x256xf32, #tpu.memory_space<hbm>> -> memref<64x2x256xf32, #tpu.memory_space<hbm>>
      %dma_start3A_97 = arith.constant 0 : i32
      %dma_start3A_98 = arith.constant 0 : i32
      %dma_start3A_99 = tpu.memref_slice %arg6[%multiple_of3A_93, %dma_start3A_97, %dma_start3A_98] : memref<102400x2x256xf32, #tpu.memory_space<hbm>> -> memref<64x2x256xf32, #tpu.memory_space<hbm>>
      tpu.enqueue_dma source(%arg10 : memref<64x2x256xf32, #tpu.memory_space<vmem>>) target(%dma_start3A_99 : memref<64x2x256xf32, #tpu.memory_space<hbm>>) target_semaphore(%arg15 : memref<!tpu.dma_semaphore, #tpu.memory_space<semaphore_mem>>)
      %scan3A_100 = arith.constant 0 : i32
      scf.yield %scan3A_100 : i32
    }
    %scan3A_22 = arith.constant 25 : i32
    %add3A_23 = arith.constant 3136 : i32
    %add3A_24 = arith.addi %mul3A_2, %add3A_23 : i32
    %multiple_of3A_25 = tpu.assume_multiple %add3A_24, 64 : i32
    %dma_wait3A = arith.constant 0 : i32
    %dma_wait3A_26 = arith.constant 0 : i32
    %dma_wait3A_27 = tpu.memref_slice %arg6[%multiple_of3A_25, %dma_wait3A, %dma_wait3A_26] : memref<102400x2x256xf32, #tpu.memory_space<hbm>> -> memref<64x2x256xf32, #tpu.memory_space<hbm>>
    %dma_wait3A_28 = arith.constant 0 : i32
    %dma_wait3A_29 = arith.constant 0 : i32
    %dma_wait3A_30 = tpu.memref_slice %arg6[%multiple_of3A_25, %dma_wait3A_28, %dma_wait3A_29] : memref<102400x2x256xf32, #tpu.memory_space<hbm>> -> memref<64x2x256xf32, #tpu.memory_space<hbm>>
    tpu.wait_dma2 semaphore(%arg15 : memref<!tpu.dma_semaphore, #tpu.memory_space<semaphore_mem>>) src(%arg10 : memref<64x2x256xf32, #tpu.memory_space<vmem>>) dst(%dma_wait3A_30 : memref<64x2x256xf32, #tpu.memory_space<hbm>>)
    return
  }
}

</mosaic_0001>

<sc_bundles>
// kernel: kernel.3.cloned.1.call-start
scs
__scs_entry_jumppad:
0x0: {  	(pc) =	sbr.rel $0x88, $3  }
0x1: {  	(tag) =	ssettag $0x0;
	lr =	simm.s32 $0x1  }
0x2: {  	[smem:$0x3F93] =	sst lr;
	_ =	strace $0xD0000000  }
0x3: {  	_ = 	snop  }
0x4: {  	_ = 	snop  }
0x5: {  	_ = 	snop  }
0x6: {  	_ = 	snop  }
0x7: {  	_ = 	snop  }
__scs_overlays_trampoline_lowered:
0x8: {  	[smem:$0x3FA2] =	sst s0  }
0x9: {  	[smem:$0x3FA3] =	sst s1  }
0xa: {  	[smem:$0x3FA4] =	sst s2  }
0xb: {  	[smem:$0x3FA5] =	sst s3  }
0xc: {  	[smem:$0x3FA6] =	sst s4  }
0xd: {  	[smem:$0x3FA7] =	sst s5  }
0xe: {  	[smem:$0x3FA8] =	sst s6  }
0xf: {  	[smem:$0x3FA9] =	sst s7  }
0x10: {  	[smem:$0x3FAA] =	sst s8  }
0x11: {  	[smem:$0x3FAB] =	sst s9;
	s0 =	simm.s32 @!p0 $0x0  }
0x12: {  	s1 =	sld [smem:$0x3F91];
	s0 =	simm.s32 @p0 $0x1  }
0x13: {  	[smem:$0x3FAC] =	sst s0;
	s0 =	simm.s32 @!p1 $0x0  }
0x14: {  	s2 =	sld [smem:$0x3F90];
	s0 =	simm.s32 @p1 $0x1  }
0x15: {  	[smem:$0x3FAD] =	sst s0;
	s0 =	simm.s32 @!p2 $0x0  }
0x16: {  	s3 =	sld [smem:$0x3FDB];
	s0 =	simm.s32 @p2 $0x1  }
0x17: {  	s4 =	simm.s32 $0x1BF5;
	[smem:$0x3FAF] =	sst s0  }
0x18: {  	s0 =	sld [smem:$0x3F92];
	_ =	swait.ge [sflag:s4], $0x0  }
0x19: {  	s7 =	sld [smem:$0x3F93]  }
0x1a: {  	s8 =	sadd.s32 $0xFFFFE003, lr  }
0x1b: {  	s9 =	sadd.s32 $0xFFFFFEF7, lr;
	s5 =	simm.s32 $0xFFFFFFFF;
	p2 =	slt.u32 s8, $0xFFFFF086  }
0x1c: {  	p1 =	slt.u32 s9, $0xF7A;
	s5 =	simm.s32 @!p2 $0x0  }
0x1d: {  	s5 =	simm.s32 @p1 $0x1;
	p0 =	seq.s32 s7, s2  }
0x1e: {  	s7 =	smul.u32 @!p0 $0xF7A, s2;
	p2 =	seq.s32 @!p0 s5, $0x0  }
0x1f: {  	s9 =	smul.u32 $0xF7A, s1;
	s8 =	simm.s32 @!p0 $0x1BF5;
	p2 =	por !p2, p0  }
0x20: {  	[sflag:s8] =	ssyncset.s32 @!p0 $0xFFFFF086;
	s6 =	sadd.s32 @!p0 s3, s7;
	s7 =	simm.s32 @!p0 $0x108  }
0x21: {  	s3 =	sadd.s32 s3, s9;
	s6 =	sadd.s32 @!p0 $0x88, s6;
	s7 =	simm.s32 @p2 $0x1082  }
0x22: {  	[simem:s7], [sflag:s8] =	dma.local @!p0 [hbm:s6], $0xF7A  }
0x23: {  	s9 =	sor.u32 $0xD0000000, s2;
	s6 =	simm.s32 $0x108;
	_ =	swait.ge @!p0 [sflag:s8], $0x0  }
0x24: {  	s3 =	sadd.s32 $0x88, s3;
	s6 =	simm.s32 @!p1 $0x1082;
	[sflag:s4] =	ssyncset.s32 $0xFFFFF086  }
0x25: {  	[simem:s6], [sflag:s4] =	dma.local [hbm:s3], $0xF7A  }
0x26: {  	[smem:$0x3F93] =	sst s1;
	(tag) =	ssettag s2;
	_ =	strace s9  }
0x27: {  	s1 =	sld [smem:$0x3FA3]  }
0x28: {  	s2 =	sld [smem:$0x3FA4]  }
0x29: {  	s4 =	sld [smem:$0x3FA6]  }
0x2a: {  	p0 =	seq.s32 s5, $0x0;
	s5 =	sld [smem:$0x3FA7]  }
0x2b: {  	s6 =	sld [smem:$0x3FA8]  }
0x2c: {  	s7 =	sld [smem:$0x3FA9]  }
0x2d: {  	s3 =	simm.s32 $0x108;
	s8 =	sld [smem:$0x3FAA]  }
0x2e: {  	s3 =	simm.s32 @!p0 $0x1082;
	s9 =	sld [smem:$0x3FAB]  }
0x2f: {  	lr =	sadd.s32 s0, s3;
	s0 =	sld [smem:$0x3FA2]  }
0x30: {  	s3 =	sld [smem:$0x3FA5]  }
0x31: {  	[smem:$0x3FAE] =	sst s10  }
0x32: {  	s10 =	sld [smem:$0x3FAC];
	_ =	sdelay $0x3  }
0x33: {  	p0 =	seq.s32 s10, $0x1;
	s10 =	sld [smem:$0x3FAE];
	_ =	sdelay $0x3  }
0x34: {  	[smem:$0x3FAE] =	sst s10  }
0x35: {  	s10 =	sld [smem:$0x3FAD];
	_ =	sdelay $0x3  }
0x36: {  	p1 =	seq.s32 s10, $0x1;
	s10 =	sld [smem:$0x3FAE];
	_ =	sdelay $0x3  }
0x37: {  	[smem:$0x3FAE] =	sst s10  }
0x38: {  	s10 =	sld [smem:$0x3FAF]  }
0x39: {  	_ = 	snop;
	(pc) =	sbr.ind lr, $3  }
0x3a: {  	_ = 	snop  }
0x3b: {  	_ = 	snop  }
0x3c: {  	p2 =	seq.s32 s10, $0x1;
	s10 =	sld [smem:$0x3FAE]  }
0x3d: {  	_ =	shalt  }
0x3e: {  	_ =	shalt  }
0x3f: {  	_ =	shalt  }
0x40: {  	_ =	shalt  }
0x41: {  	_ =	shalt  }
0x42: {  	_ =	shalt  }
0x43: {  	_ =	shalt  }
0x44: {  	_ =	shalt  }
0x45: {  	_ =	shalt  }
0x46: {  	_ =	shalt  }
0x47: {  	_ =	shalt  }
0x48: {  	_ =	shalt  }
0x49: {  	_ =	shalt  }
0x4a: {  	_ =	shalt  }
0x4b: {  	_ =	shalt  }
0x4c: {  	_ =	shalt  }
0x4d: {  	_ =	shalt  }
0x4e: {  	_ =	shalt  }
0x4f: {  	_ =	shalt  }
0x50: {  	_ =	shalt  }
0x51: {  	_ =	shalt  }
0x52: {  	_ =	shalt  }
0x53: {  	_ =	shalt  }
0x54: {  	_ =	shalt  }
0x55: {  	_ =	shalt  }
0x56: {  	_ =	shalt  }
0x57: {  	_ =	shalt  }
0x58: {  	_ =	shalt  }
0x59: {  	_ =	shalt  }
0x5a: {  	_ =	shalt  }
0x5b: {  	_ =	shalt  }
0x5c: {  	_ =	shalt  }
0x5d: {  	_ =	shalt  }
0x5e: {  	_ =	shalt  }
0x5f: {  	_ =	shalt  }
0x60: {  	_ =	shalt  }
0x61: {  	_ =	shalt  }
0x62: {  	_ =	shalt  }
0x63: {  	_ =	shalt  }
0x64: {  	_ =	shalt  }
0x65: {  	_ =	shalt  }
0x66: {  	_ =	shalt  }
0x67: {  	_ =	shalt  }
0x68: {  	_ =	shalt  }
0x69: {  	_ =	shalt  }
0x6a: {  	_ =	shalt  }
0x6b: {  	_ =	shalt  }
0x6c: {  	_ =	shalt  }
0x6d: {  	_ =	shalt  }
0x6e: {  	_ =	shalt  }
0x6f: {  	_ =	shalt  }
0x70: {  	_ =	shalt  }
0x71: {  	_ =	shalt  }
0x72: {  	_ =	shalt  }
0x73: {  	_ =	shalt  }
0x74: {  	_ =	shalt  }
0x75: {  	_ =	shalt  }
0x76: {  	_ =	shalt  }
0x77: {  	_ =	shalt  }
0x78: {  	_ =	shalt  }
0x79: {  	_ =	shalt  }
0x7a: {  	_ =	shalt  }
0x7b: {  	_ =	shalt  }
0x7c: {  	_ =	shalt  }
0x7d: {  	_ =	shalt  }
0x7e: {  	_ =	shalt  }
0x7f: {  	_ =	shalt  }
0x80: {  	_ =	shalt  }
0x81: {  	_ =	shalt  }
0x82: {  	_ =	shalt  }
0x83: {  	_ =	shalt  }
0x84: {  	_ =	shalt  }
0x85: {  	_ =	shalt  }
0x86: {  	_ =	shalt  }
0x87: {  	_ =	shalt  }
.Lfunc_end0:
.L_simem_size_0:
called_computation_lowered:
.L_overlay_start_0:
0x88: {  	s2 =	sld [smem:$0x3FD9]  }
0x89: {  	s3 =	sld [smem:$0x3FFE];
	_ =	sdelay $0x1  }
0x8a: {  	s1 =	srdreg.scid  }
0x8b: {  	s0 =	sand.u32 $0x1, s1  }
0x8c: {  	s14 =	sshll.u32 s0, $0xA;
	s2 =	sadd.s32 s3, s2  }
0x8d: {  	s2 =	sadd.s32 s2, s14  }
0x8e: {  	[smem:$0x3FBA] =	sst s2  }
0x8f: {  	_ = 	snop  }
0x90: {  	s2 =	sld [smem:$0x3FD0];
	_ =	sdelay $0x2  }
0x91: {  	s15 =	simm.s32 $0xA;
	s4 =	simm.s32 $0x10  }
0x92: {  	[smem:s4], [sflag:s15] =	dma.local [hbm:s2], $0x1  }
0x93: {  	_ =	swait.eq [sflag:s15], $0x1  }
0x94: {  	[sflag:s15] =	ssyncset.done $0x0  }
0x95: {  	s16 =	sld [smem:$0x10];
	[sflag:s15] =	ssyncadd.s32 $0xFFFFFFFF  }
0x96: {  	s17 =	sld [smem:$0x11];
	(tm) =	ssettm $0x1  }
0x97: {  	s18 =	sld [smem:$0x3FFB];
	_ =	sdelay $0x3  }
0x98: {  	_ =	strace s18  }
0x99: {  	s4 =	sld [smem:$0x3FFC];
	_ =	sdelay $0x3  }
0x9a: {  	_ =	strace s4  }
0x9b: {  	s4 =	sld [smem:$0x3FFD];
	_ =	sdelay $0x3  }
0x9c: {  	_ =	strace s4  }
0x9d: {  	_ =	strace $0x8FFFFFFF  }
0x9e: {  	s19 =	sld [smem:$0x3FDB];
	_ =	sdelay $0x1  }
0x9f: {  	s5 =	simm.s32 $_scs_section_size  }
0xa0: {  	s6 =	simm.s32 $_size__tile_overlayer_lowered;
	s7 =	simm.s32 $_tile_overlayer_lowered  }
0xa1: {  	s22 =	simm.s32 $0x1BFF;
	s21 =	sshll.u32 s7, $0x1;
	s4 =	sadd.s32 s5, s19  }
0xa2: {  	s8 =	simm.s32 $0x0;
	s20 =	sshll.u32 s6, $0x1;
	s6 =	sadd.s32 s21, s4  }
0xa3: {  	[timem:s8], [sflag:s22] =	dma.local [hbm:s6], s20  }
0xa4: {  	_ =	swait.ge [sflag:s22], s20  }
0xa5: {  	s5 =	ssub.s32 $0x0, s20;
	[sflag:s22] =	ssyncset.done $0x0  }
0xa6: {  	[sflag:s22] =	ssyncadd.s32 s5;
	_ =	sdelay $0x1  }
0xa7: {  	s23 =	simm.s32 $0x1B8B  }
0xa8: {  	_ =	swait.ge [sflag:s23], $0x1  }
0xa9: {  	[sflag:s23] =	ssyncset.done $0x0  }
0xaa: {  	s25 =	simm.s32 $0x1B8E;
	s24 =	sld [smem:$0x3FFE];
	[sflag:s23] =	ssyncadd.s32 $0xFFFFFFFF  }
0xab: {  	s26 =	simm.s32 $execute0_lowered;
	[smem:$0x3FD2] =	sst s25  }
0xac: {  	s6 =	sshll.u32 s26, $0x1;
	_ =	strace $0x80000046;
	[dreg:$0x1] =	wrdreg $0xFFFFFFFF  }
0xad: {  	s28 =	simm.s32 $_size_execute0_lowered;
	s4 =	sadd.s32 s4, s6;
	[dreg:$0x0] =	wrdreg $0x0  }
0xae: {  	s6 =	sshll.u32 s28, $0x1;
	[dreg:$0x2] =	wrdreg s4  }
0xaf: {  	[dreg:$0x3] =	wrdreg s6  }
0xb0: {  	[dreg:$0x4] =	wrdreg $0xC0  }
0xb1: {  	_ =	task [dreg:s8], $0x5FFFF  }
0xb2: {  	[dreg:$0x1] =	wrdreg $0xFFFFFFFF  }
0xb3: {  	[dreg:$0x0] =	wrdreg $0x60  }
0xb4: {  	[dreg:$0x2] =	wrdreg s24  }
0xb5: {  	[dreg:$0x3] =	wrdreg s17  }
0xb6: {  	[dreg:$0x4] =	wrdreg s16  }
0xb7: {  	[dreg:$0x5] =	wrdreg $0x9  }
0xb8: {  	_ =	task.clear_ibuf [dreg:s8], $0x6FFFF;
	_ =	strace $0x90000046  }
0xb9: {  	s29 =	simm.s32 $0x9;
	_ =	strace $0x80000048  }
0xba: {  	_ =	swait.ge [sflag:s29], $0x1  }
0xbb: {  	[sflag:s29] =	ssyncadd.s32 $0xFFFFFFFF  }
0xbc: {  	_ =	strace $0x90000048  }
0xbd: {  	_ =	sfence  }
0xbe: {  	s30 =	sld [smem:$0x0];
	_ =	sdelay $0x2  }
0xbf: {  	s31 =	sshll.u32 s1, $0xD;
	s1 =	sshrl.u32 s1, $0x2  }
0xc0: {  	s3 =	sand.u32 $0x4000, s31;
	s1 =	sadd.s32 s1, s30  }
0xc1: {  	s0 =	sor.u32 s3, s0;
	s1 =	sshll.u32 s1, $0x11  }
0xc2: {  	s0 =	sor.u32 s1, s0  }
0xc3: {  	s0 =	sadd.s32 $0x8F2B, s0  }
0xc4: {  	[sflag:s0] =	ssyncadd.remote.s32 $0x1  }
0xc5: {  	_ =	sfence.sel $0xFFFF  }
0xc6: {  	[dreg:$0x0] =	wrdreg $0xFFFFFFFF;
	(pc) =	sbr.abs _section_cstart, $3  }
0xc7: {  	[dreg:$0x1] =	wrdreg $0xFFFFFFFF  }
0xc8: {  	_ =	task.clear_ibuf [dreg:s8], $0x2FFFF;
	_ =	strace $0x9FFFFFFF  }
0xc9: {  	(tm) =	ssettm $0x7FFFFFFF  }
tec
execute0_lowered:
.L_overlay_start_1:
0x0: {  	(tag) =	ssettag $0x1  }
0x1: {  	s0 =	srdreg.scid;
	s1 =	rddreg [dreg:$0x0]  }
0x2: {  	s12 =	stileid.u32;
	s13 =	rddreg [dreg:$0x1]  }
0x3: {  	s4 =	simm.s32 $0x0;
	s17 =	simm.s32 $0x3;
	s29 =	simm.s32 $0x1A480  }
0x4: {  	s30 =	simm.s32 $0x1AC80;
	s31 =	simm.s32 $0x1B480;
	s18 =	simm.s32 $0xC80  }
0x5: {  	s14 =	simm.s32 $0xCC80;
	s15 =	simm.s32 $0xEC80;
	s11 =	smul.u32 $0x320000, s12  }
0x6: {  	s0 =	sand.u32 $0x1, s0;
	s2 =	sshll.u32 s12, $0x1;
	s23 =	smul.u32 $0x1900, s12  }
0x7: {  	[smem:$0x7FF] =	sst s4;
	s7 =	sadd.s32 $0x4800, s1;
	s24 =	smul.u32 $0xC80, s0  }
0x8: {  	s2 =	sor.u32 s0, s2;
	s9 =	ssub.s32 $0x2, s0;
	s0 =	smul.u32 $0x190000, s0  }
0x9: {  	s8 =	sadd.s32 $0x5200, s1;
	s12 =	simm.s32 $0x8C80;
	s3 =	smul.u32 $0xC80, s2  }
0xa: {  	_ =	strace $0x80000047;
	[dreg:$0x4] =	wrdreg s7;
	s5 =	smul.u32 $0x50, s2  }
0xb: {  	s7 =	sadd.s32 $0x1400, s1;
	s6 =	smul.u32 $0x190000, s2;
	s10 =	sshrl.u32 s9, $0x1  }
0xc: {  	s2 =	smul.u32 $0x32000, s2;
	s22 =	ssub.s32 s9, s10;
	s0 =	sadd.s32 s0, s11  }
0xd: {  	s9 =	simm.s32 $0x4C80;
	s10 =	simm.s32 $0x6C80;
	s11 =	simm.s32 $0x2  }
0xe: {  	s3 =	sshrl.u32 s3, $0x3;
	s2 =	sadd.s32 s13, s2;
	s0 =	sadd.s32 $0x10000, s0  }
0xf: {  	s3 =	sadd.s32 s3, s1;
	s1 =	smax.u32 s22, $0x1;
	[dreg:$0xb] =	wrdreg s0  }
0x10: {  	s25 =	sshrl.u32 s6, $0x3;
	s26 =	sadd.s32 $0x1000, s2;
	[dreg:$0x6] =	wrdreg s1  }
0x11: {  	s6 =	simm.s32 $0x2C80;
	s2 =	sadd.s32 $0x31000, s2;
	[dreg:$0x8] =	wrdreg s26  }
0x12: {  	s0 =	simm.s32 $0x1BC80;
	s3 =	sadd.s32 $0x1600, s3;
	[dreg:$0xa] =	wrdreg s2  }
0x13: {  	s1 =	sadd.s32 s24, s23;
	[dreg:$0x5] =	wrdreg s3;
	s3 =	sadd.s32 s13, s25  }
0x14: {  	v0 =	vlaneseq.u32;
	s1 =	sshll.u32 s1, $0x6;
	[dreg:$0x7] =	wrdreg s3;
	s3 =	sadd.s32 $0x30000, s3  }
0x15: {  	vm0 =	vmmov $0xffff;
	v2 =	vshrl.u32 v0, $0x3;
	s28 =	sadd.s32 s13, s1;
	s1 =	simm.s32 $0x1;
	s13 =	simm.s32 $0xAC80  }
0x16: {  	v1 =	vand.u32 $0x7, v0;
	v3 =	vor.u32 $0x8, v0;
	v2 =	vmul.u32 $0x8, v2;
	[dreg:$0x9] =	wrdreg s3;
	s16 =	sadd.s32 $0x3000, s28;
	s3 =	simm.s32 $0x0  }
.LBB2_1:
0x17: {  	[dreg:$0xc] =	wrdreg s3  }
0x18: {  	s2 =	rddreg [dreg:$0x5]  }
0x19: {  	[tilespmem:s4], [sflag:$0x3] =	stream.linear.gather [hbm4b:s2+s4], $0xC80, $0x38;
	[tilespmem:$0x1CC80] =	vst v63  }
0x1a: {  	_ =	swait.ge [sflag:s17], $0xC80  }
0x1b: {  	[sflag:s17] =	ssyncset.done $0x0  }
0x1c: {  	s28 =	simm.s32 $0x10C80;
	s26 =	rddreg [dreg:$0x4];
	[sflag:s17] =	ssyncadd.s32 $0xFFFFF380  }
0x1d: {  	[tilespmem:s28], [sflag:$0x3] =	stream.linear.gather [hbm4b:s26+s4], $0x5000, $0x38;
	[tilespmem:$0x1CC80] =	vst v63  }
0x1e: {  	_ =	swait.ge [sflag:s17], $0x5000  }
0x1f: {  	[sflag:s17] =	ssyncset.done $0x0  }
0x20: {  	s3 =	simm.s32 $0x0;
	[sflag:s17] =	ssyncadd.s32 $0xFFFFB000  }
.LBB2_2:
0x21: {  	s2 =	sshll.u32 s3, $0x4  }
0x22: {  	s2 =	sadd.s32 s5, s2  }
0x23: {  	s19 =	sshll.u32 s2, $0x3  }
0x24: {  	s20 =	sand.u32 $0x70, s2;
	s19 =	sand.u32 $0x7FFFFC00, s19  }
0x25: {  	s20 =	sor.u32 s20, s19  }
0x26: {  	v4 =	vld [tilespmem:s20+$0x10C80];
	_ =	sdelay $0x4  }
0x27: {  	v5 =	vshll.u32 v4, $0x1  }
0x28: {  	v4 =	vand.u32 $0x7, v4;
	v5 =	vand.u32 $0xFFFFFFF0, v5  }
0x29: {  	v4 =	vor.u32 v4, v5  }
0x2a: {  	v5 =	vperm.xlane v4, v1;
	_ =	sdelay $0x1  }
0x2b: {  	v4 =	vperm.xlane v4, v3;
	v5 =	vadd.s32 v2, v5;
	_ =	sdelay $0x1  }
0x2c: {  	v4 =	vadd.s32 v2, v4;
	_ =	sdelay $0x1  }
0x2d: {  	s21 =	simm.s32 $0x15C80;
	s19 =	simm.s32 $0x0  }
0x2e: {  	[tilespmem:s21], [sflag:$0x1] =	stream.indirect_vreg.gather [hbm4b:s8+s19], $0x80, v5, vm0, $0xb8;
	[tilespmem:$0x1CC80] =	vst v63  }
0x2f: {  	s23 =	simm.s32 $0x16480;
	s20 =	sadd.s32 $0x10C80, s20  }
0x30: {  	[tilespmem:s23], [sflag:$0x1] =	stream.indirect_vreg.gather [hbm4b:s8+s19], $0x80, v4, vm0, $0xb8;
	[tilespmem:$0x1CC80] =	vst v63  }
0x31: {  	v4 =	vld [tilespmem:s20+$0x80];
	_ =	sdelay $0x4  }
0x32: {  	v5 =	vshll.u32 v4, $0x1  }
0x33: {  	v4 =	vand.u32 $0x7, v4;
	v5 =	vand.u32 $0xFFFFFFF0, v5  }
0x34: {  	v4 =	vor.u32 v4, v5  }
0x35: {  	v5 =	vperm.xlane v4, v1;
	_ =	sdelay $0x1  }
0x36: {  	v4 =	vperm.xlane v4, v3;
	v5 =	vadd.s32 v2, v5;
	_ =	sdelay $0x1  }
0x37: {  	v4 =	vadd.s32 v2, v4;
	_ =	sdelay $0x1  }
0x38: {  	s24 =	simm.s32 $0x16C80  }
0x39: {  	[tilespmem:s24], [sflag:$0x1] =	stream.indirect_vreg.gather [hbm4b:s8+s19], $0x80, v5, vm0, $0xb8;
	[tilespmem:$0x1CC80] =	vst v63  }
0x3a: {  	s25 =	simm.s32 $0x17480  }
0x3b: {  	[tilespmem:s25], [sflag:$0x1] =	stream.indirect_vreg.gather [hbm4b:s8+s19], $0x80, v4, vm0, $0xb8;
	[tilespmem:$0x1CC80] =	vst v63  }
0x3c: {  	v4 =	vld [tilespmem:s20+$0x100];
	_ =	sdelay $0x4  }
0x3d: {  	v5 =	vshll.u32 v4, $0x1  }
0x3e: {  	v4 =	vand.u32 $0x7, v4;
	v5 =	vand.u32 $0xFFFFFFF0, v5  }
0x3f: {  	v4 =	vor.u32 v4, v5  }
0x40: {  	v5 =	vperm.xlane v4, v1;
	_ =	sdelay $0x1  }
0x41: {  	v4 =	vperm.xlane v4, v3;
	v5 =	vadd.s32 v2, v5;
	_ =	sdelay $0x1  }
0x42: {  	v4 =	vadd.s32 v2, v4;
	_ =	sdelay $0x1  }
0x43: {  	s26 =	simm.s32 $0x17C80  }
0x44: {  	[tilespmem:s26], [sflag:$0x1] =	stream.indirect_vreg.gather [hbm4b:s8+s19], $0x80, v5, vm0, $0xb8;
	[tilespmem:$0x1CC80] =	vst v63  }
0x45: {  	s28 =	simm.s32 $0x18480  }
0x46: {  	[tilespmem:s28], [sflag:$0x1] =	stream.indirect_vreg.gather [hbm4b:s8+s19], $0x80, v4, vm0, $0xb8;
	[tilespmem:$0x1CC80] =	vst v63  }
0x47: {  	v4 =	vld [tilespmem:s20+$0x180];
	_ =	sdelay $0x4  }
0x48: {  	v5 =	vshll.u32 v4, $0x1  }
0x49: {  	v4 =	vand.u32 $0x7, v4;
	v5 =	vand.u32 $0xFFFFFFF0, v5  }
0x4a: {  	v4 =	vor.u32 v4, v5  }
0x4b: {  	v5 =	vperm.xlane v4, v1;
	_ =	sdelay $0x1  }
0x4c: {  	v4 =	vperm.xlane v4, v3;
	v5 =	vadd.s32 v2, v5;
	_ =	sdelay $0x1  }
0x4d: {  	v4 =	vadd.s32 v2, v4;
	_ =	sdelay $0x1  }
0x4e: {  	s22 =	simm.s32 $0x18C80  }
0x4f: {  	[tilespmem:s22], [sflag:$0x1] =	stream.indirect_vreg.gather [hbm4b:s8+s19], $0x80, v5, vm0, $0xb8;
	[tilespmem:$0x1CC80] =	vst v63  }
0x50: {  	s23 =	simm.s32 $0x19480  }
0x51: {  	[tilespmem:s23], [sflag:$0x1] =	stream.indirect_vreg.gather [hbm4b:s8+s19], $0x80, v4, vm0, $0xb8;
	[tilespmem:$0x1CC80] =	vst v63  }
0x52: {  	v4 =	vld [tilespmem:s20+$0x200];
	_ =	sdelay $0x4  }
0x53: {  	v5 =	vshll.u32 v4, $0x1  }
0x54: {  	v4 =	vand.u32 $0x7, v4;
	v5 =	vand.u32 $0xFFFFFFF0, v5  }
0x55: {  	v4 =	vor.u32 v4, v5  }
0x56: {  	v5 =	vperm.xlane v4, v1;
	_ =	sdelay $0x1  }
0x57: {  	v4 =	vperm.xlane v4, v3;
	v5 =	vadd.s32 v2, v5;
	_ =	sdelay $0x1  }
0x58: {  	v4 =	vadd.s32 v2, v4;
	_ =	sdelay $0x1  }
0x59: {  	s24 =	simm.s32 $0x19C80  }
0x5a: {  	[tilespmem:s24], [sflag:$0x1] =	stream.indirect_vreg.gather [hbm4b:s8+s19], $0x80, v5, vm0, $0xb8;
	[tilespmem:$0x1CC80] =	vst v63  }
0x5b: {  	_ = 	snop  }
0x5c: {  	[tilespmem:s29], [sflag:$0x1] =	stream.indirect_vreg.gather [hbm4b:s8+s19], $0x80, v4, vm0, $0xb8;
	[tilespmem:$0x1CC80] =	vst v63  }
0x5d: {  	v4 =	vld [tilespmem:s20+$0x280];
	_ =	sdelay $0x4  }
0x5e: {  	v5 =	vshll.u32 v4, $0x1  }
0x5f: {  	v4 =	vand.u32 $0x7, v4;
	v5 =	vand.u32 $0xFFFFFFF0, v5  }
0x60: {  	v4 =	vor.u32 v4, v5  }
0x61: {  	v5 =	vperm.xlane v4, v1;
	_ =	sdelay $0x1  }
0x62: {  	v4 =	vperm.xlane v4, v3;
	v5 =	vadd.s32 v2, v5;
	_ =	sdelay $0x1  }
0x63: {  	v4 =	vadd.s32 v2, v4;
	_ =	sdelay $0x2  }
0x64: {  	[tilespmem:s30], [sflag:$0x1] =	stream.indirect_vreg.gather [hbm4b:s8+s19], $0x80, v5, vm0, $0xb8;
	[tilespmem:$0x1CC80] =	vst v63  }
0x65: {  	_ = 	snop  }
0x66: {  	[tilespmem:s31], [sflag:$0x1] =	stream.indirect_vreg.gather [hbm4b:s8+s19], $0x80, v4, vm0, $0xb8;
	[tilespmem:$0x1CC80] =	vst v63  }
0x67: {  	_ =	swait.ge [sflag:s1], $0x1000  }
0x68: {  	[sflag:s1] =	ssyncset.done $0x0  }
0x69: {  	[sflag:s1] =	ssyncadd.s32 $0xFFFFF000  }
0x6a: {  	_ =	swait.ge [sflag:s1], $0x1000  }
0x6b: {  	[sflag:s1] =	ssyncset.done $0x0  }
0x6c: {  	[sflag:s1] =	ssyncadd.s32 $0xFFFFF000  }
0x6d: {  	_ =	swait.ge [sflag:s1], $0x1000  }
0x6e: {  	[sflag:s1] =	ssyncset.done $0x0  }
0x6f: {  	[sflag:s1] =	ssyncadd.s32 $0xFFFFF000  }
0x70: {  	_ =	swait.ge [sflag:s1], $0x1000  }
0x71: {  	[sflag:s1] =	ssyncset.done $0x0  }
0x72: {  	[sflag:s1] =	ssyncadd.s32 $0xFFFFF000  }
0x73: {  	_ =	swait.ge [sflag:s1], $0x1000  }
0x74: {  	[sflag:s1] =	ssyncset.done $0x0  }
0x75: {  	[sflag:s1] =	ssyncadd.s32 $0xFFFFF000  }
0x76: {  	_ =	swait.ge [sflag:s1], $0x1000  }
0x77: {  	s25 =	sand.u32 $0x800, s19;
	s26 =	sand.u32 $0x380, s19;
	[sflag:s1] =	ssyncset.done $0x0  }
0x78: {  	s20 =	sor.u32 s26, s25;
	[sflag:s1] =	ssyncadd.s32 $0xFFFFF000  }
0x79: {  	v4 =	vld [tilespmem:s20+$0x19CF0]  }
0x7a: {  	v5 =	vld [tilespmem:s20+$0x18C80]  }
0x7b: {  	v6 =	vld [tilespmem:s20+$0x18CD0]  }
0x7c: {  	v7 =	vld [tilespmem:s20+$0x18CF0]  }
0x7d: {  	v8 =	vld [tilespmem:s20+$0x17CF0]  }
0x7e: {  	v9 =	vld [tilespmem:s20+$0x1ACB0]  }
0x7f: {  	v10 =	vld [tilespmem:s20+$0x15CF0]  }
0x80: {  	v11 =	vld [tilespmem:s20+$0x18CB0]  }
0x81: {  	v12 =	vld [tilespmem:s20+$0x16CF0]  }
0x82: {  	v13 =	vld [tilespmem:s20+$0x19CB0]  }
0x83: {  	v14 =	vld [tilespmem:s20+$0x17CB0]  }
0x84: {  	v15 =	vld [tilespmem:s20+$0x1ACC0]  }
0x85: {  	v16 =	vld [tilespmem:s20+$0x18C90]  }
0x86: {  	v17 =	vld [tilespmem:s20+$0x19CC0]  }
0x87: {  	v18 =	vld [tilespmem:s20+$0x17CD0]  }
0x88: {  	v19 =	vld [tilespmem:s20+$0x17CE0]  }
0x89: {  	v20 =	vld [tilespmem:s20+$0x16CB0]  }
0x8a: {  	v21 =	vld [tilespmem:s20+$0x18CA0]  }
0x8b: {  	v22 =	vld [tilespmem:s20+$0x15CB0]  }
0x8c: {  	v23 =	vld [tilespmem:s20+$0x18CC0]  }
0x8d: {  	v24 =	vld [tilespmem:s20+$0x17CC0]  }
0x8e: {  	v25 =	vld [tilespmem:s20+$0x16CC0]  }
0x8f: {  	v26 =	vld [tilespmem:s20+$0x17C80]  }
0x90: {  	v27 =	vld [tilespmem:s20+$0x15CC0]  }
0x91: {  	v28 =	vld [tilespmem:s20+$0x17CA0]  }
0x92: {  	v29 =	vld [tilespmem:s20+$0x16CA0]  }
0x93: {  	v30 =	vld [tilespmem:s20+$0x17C90]  }
0x94: {  	v31 =	vld [tilespmem:s20+$0x16CD0]  }
0x95: {  	v51 =	vld [tilespmem:s20+$0x15CA0]  }
0x96: {  	v34 =	vld [tilespmem:s20+$0x15CD0]  }
0x97: {  	v50 =	vld [tilespmem:s20+$0x16CE0]  }
0x98: {  	v32 =	vld [tilespmem:s20+$0x16C90];
	v20 =	vadd.f32 v20, v22  }
0x99: {  	v52 =	vld [tilespmem:s20+$0x15C90];
	v25 =	vadd.f32 v25, v27  }
0x9a: {  	v33 =	vld [tilespmem:s20+$0x15C80];
	v10 =	vadd.f32 v12, v10;
	v14 =	vadd.f32 v14, v20  }
0x9b: {  	v53 =	vld [tilespmem:s20+$0x16C80];
	v55 =	vadd.f32 v29, v51;
	v60 =	vadd.f32 v31, v34  }
0x9c: {  	v54 =	vld [tilespmem:s20+$0x19C80];
	v8 =	vadd.f32 v8, v10;
	v11 =	vadd.f32 v11, v14  }
0x9d: {  	v57 =	vld [tilespmem:s20+$0x19CA0];
	v12 =	vadd.f32 v28, v55;
	v18 =	vadd.f32 v18, v60  }
0x9e: {  	v56 =	vld [tilespmem:s20+$0x1ACF0];
	v14 =	vadd.f32 v32, v52;
	v11 =	vadd.f32 v13, v11  }
0x9f: {  	v7 =	vadd.f32 v7, v8;
	v8 =	vld [tilespmem:s20+$0x19C90];
	v12 =	vadd.f32 v21, v12  }
0xa0: {  	v6 =	vadd.f32 v6, v18;
	v9 =	vadd.f32 v9, v11;
	v11 =	vld [tilespmem:s20+$0x15CE0]  }
0xa1: {  	v58 =	vld [tilespmem:s20+$0x1ACA0];
	v14 =	vadd.f32 v30, v14;
	v4 =	vadd.f32 v4, v7  }
0xa2: {  	v7 =	vld [tilespmem:s20+$0x1AC90];
	v13 =	vadd.f32 v53, v33;
	v12 =	vadd.f32 v57, v12  }
0xa3: {  	v59 =	vld [tilespmem:s20+$0x18CE0];
	v4 =	vadd.f32 v56, v4;
	v14 =	vadd.f32 v16, v14  }
0xa4: {  	v61 =	vld [tilespmem:s20+$0x19CD0];
	v13 =	vadd.f32 v26, v13;
	[tilespmem:s20+$0x1BCB0] =	vst v9;
	v9 =	vadd.f32 v24, v25  }
0xa5: {  	v10 =	vld [tilespmem:s20+$0x1AC80];
	v8 =	vadd.f32 v8, v14;
	v11 =	vadd.f32 v50, v11  }
0xa6: {  	v62 =	vld [tilespmem:s20+$0x19CE0];
	v5 =	vadd.f32 v5, v13;
	v9 =	vadd.f32 v23, v9  }
0xa7: {  	[tilespmem:s20+$0x1BCF0] =	vst v4;
	v7 =	vadd.f32 v7, v8;
	v4 =	vadd.f32 v19, v11;
	v11 =	vld [tilespmem:s20+$0x1ACD0]  }
0xa8: {  	v63 =	vld [tilespmem:s20+$0x1ACE0];
	v8 =	vadd.f32 v58, v12;
	v5 =	vadd.f32 v54, v5  }
0xa9: {  	v9 =	vadd.f32 v17, v9;
	v4 =	vadd.f32 v59, v4  }
0xaa: {  	v6 =	vadd.f32 v61, v6;
	[tilespmem:s20+$0x1BC90] =	vst v7;
	v5 =	vadd.f32 v10, v5  }
0xab: {  	[tilespmem:s20+$0x1BCA0] =	vst v8;
	v7 =	vadd.f32 v15, v9;
	v4 =	vadd.f32 v62, v4  }
0xac: {  	[tilespmem:s20+$0x1BC80] =	vst v5;
	v6 =	vadd.f32 v11, v6  }
0xad: {  	s28 =	sand.u32 $0xFFFFF800, s19;
	[tilespmem:s20+$0x1BCC0] =	vst v7;
	v4 =	vadd.f32 v63, v4  }
0xae: {  	s21 =	sadd.s32 $0x0, s28;
	[tilespmem:s20+$0x1BCD0] =	vst v6  }
0xaf: {  	s22 =	sor.u32 $0x1400, s21;
	[tilespmem:s20+$0x1BCE0] =	vst v4;
	v4 =	vld [tilespmem:s20+$0x16080]  }
0xb0: {  	v5 =	vld [tilespmem:s22+$0x15C80]  }
0xb1: {  	s23 =	sor.u32 $0x2400, s21  }
0xb2: {  	v6 =	vld [tilespmem:s23+$0x15C80]  }
0xb3: {  	s24 =	sor.u32 $0x3400, s21  }
0xb4: {  	v7 =	vld [tilespmem:s24+$0x15C80]  }
0xb5: {  	s25 =	sor.u32 $0x4400, s21;
	v4 =	vadd.f32 v5, v4  }
0xb6: {  	v5 =	vld [tilespmem:s25+$0x15C80]  }
0xb7: {  	s26 =	sor.u32 $0x5400, s21;
	v4 =	vadd.f32 v6, v4  }
0xb8: {  	v6 =	vld [tilespmem:s26+$0x15C80]  }
0xb9: {  	v4 =	vadd.f32 v7, v4;
	_ =	sdelay $0x1  }
0xba: {  	v4 =	vadd.f32 v5, v4;
	_ =	sdelay $0x1  }
0xbb: {  	v4 =	vadd.f32 v6, v4;
	_ =	sdelay $0x1  }
0xbc: {  	[tilespmem:s20+$0x1C080] =	vst v4;
	v4 =	vld [tilespmem:s20+$0x16090]  }
0xbd: {  	v5 =	vld [tilespmem:s22+$0x15C90];
	_ =	sdelay $0x1  }
0xbe: {  	v6 =	vld [tilespmem:s23+$0x15C90];
	_ =	sdelay $0x1  }
0xbf: {  	v7 =	vld [tilespmem:s24+$0x15C90]  }
0xc0: {  	v4 =	vadd.f32 v5, v4  }
0xc1: {  	v5 =	vld [tilespmem:s25+$0x15C90]  }
0xc2: {  	v4 =	vadd.f32 v6, v4  }
0xc3: {  	v6 =	vld [tilespmem:s26+$0x15C90]  }
0xc4: {  	v4 =	vadd.f32 v7, v4;
	_ =	sdelay $0x1  }
0xc5: {  	v4 =	vadd.f32 v5, v4;
	_ =	sdelay $0x1  }
0xc6: {  	v4 =	vadd.f32 v6, v4;
	_ =	sdelay $0x1  }
0xc7: {  	[tilespmem:s20+$0x1C090] =	vst v4;
	v4 =	vld [tilespmem:s20+$0x160A0]  }
0xc8: {  	v5 =	vld [tilespmem:s22+$0x15CA0];
	_ =	sdelay $0x1  }
0xc9: {  	v6 =	vld [tilespmem:s23+$0x15CA0];
	_ =	sdelay $0x1  }
0xca: {  	v7 =	vld [tilespmem:s24+$0x15CA0]  }
0xcb: {  	v4 =	vadd.f32 v5, v4  }
0xcc: {  	v5 =	vld [tilespmem:s25+$0x15CA0]  }
0xcd: {  	v4 =	vadd.f32 v6, v4  }
0xce: {  	v6 =	vld [tilespmem:s26+$0x15CA0]  }
0xcf: {  	v4 =	vadd.f32 v7, v4;
	_ =	sdelay $0x1  }
0xd0: {  	v4 =	vadd.f32 v5, v4;
	_ =	sdelay $0x1  }
0xd1: {  	v4 =	vadd.f32 v6, v4;
	_ =	sdelay $0x1  }
0xd2: {  	[tilespmem:s20+$0x1C0A0] =	vst v4;
	v4 =	vld [tilespmem:s20+$0x160B0]  }
0xd3: {  	v5 =	vld [tilespmem:s22+$0x15CB0];
	_ =	sdelay $0x1  }
0xd4: {  	v6 =	vld [tilespmem:s23+$0x15CB0];
	_ =	sdelay $0x1  }
0xd5: {  	v7 =	vld [tilespmem:s24+$0x15CB0]  }
0xd6: {  	v4 =	vadd.f32 v5, v4  }
0xd7: {  	v5 =	vld [tilespmem:s25+$0x15CB0]  }
0xd8: {  	v4 =	vadd.f32 v6, v4  }
0xd9: {  	v6 =	vld [tilespmem:s26+$0x15CB0]  }
0xda: {  	v4 =	vadd.f32 v7, v4;
	_ =	sdelay $0x1  }
0xdb: {  	v4 =	vadd.f32 v5, v4;
	_ =	sdelay $0x1  }
0xdc: {  	v4 =	vadd.f32 v6, v4;
	_ =	sdelay $0x1  }
0xdd: {  	[tilespmem:s20+$0x1C0B0] =	vst v4;
	v4 =	vld [tilespmem:s20+$0x160C0]  }
0xde: {  	v5 =	vld [tilespmem:s22+$0x15CC0];
	_ =	sdelay $0x1  }
0xdf: {  	v6 =	vld [tilespmem:s23+$0x15CC0];
	_ =	sdelay $0x1  }
0xe0: {  	v7 =	vld [tilespmem:s24+$0x15CC0]  }
0xe1: {  	v4 =	vadd.f32 v5, v4  }
0xe2: {  	v5 =	vld [tilespmem:s25+$0x15CC0]  }
0xe3: {  	v4 =	vadd.f32 v6, v4  }
0xe4: {  	v6 =	vld [tilespmem:s26+$0x15CC0]  }
0xe5: {  	v4 =	vadd.f32 v7, v4;
	_ =	sdelay $0x1  }
0xe6: {  	v4 =	vadd.f32 v5, v4;
	_ =	sdelay $0x1  }
0xe7: {  	v4 =	vadd.f32 v6, v4;
	_ =	sdelay $0x1  }
0xe8: {  	v8 =	vld [tilespmem:s20+$0x160D0];
	[tilespmem:s20+$0x1C0C0] =	vst v4  }
0xe9: {  	v9 =	vld [tilespmem:s22+$0x15CD0];
	_ =	sdelay $0x1  }
0xea: {  	v7 =	vld [tilespmem:s23+$0x15CD0]  }
0xeb: {  	v6 =	vld [tilespmem:s24+$0x15CD0]  }
0xec: {  	v4 =	vld [tilespmem:s25+$0x15CD0]  }
0xed: {  	s21 =	simm.s32 $0x100;
	v5 =	vld [tilespmem:s26+$0x15CD0];
	v8 =	vadd.f32 v9, v8  }
.LBB2_3:
0xee: {  	p0 =	sne.s32 s21, $0xF00  }
0xef: {  	s19 =	sadd.s32 $0x80, s19;
	s28 =	smov.u32 s21;
	s21 =	sadd.s32 $0x100, s21  }
0xf0: {  	v7 =	vadd.f32 v7, v8;
	_ =	sdelay $0x1  }
0xf1: {  	v6 =	vadd.f32 v6, v7;
	_ =	sdelay $0x1  }
0xf2: {  	v4 =	vadd.f32 v4, v6;
	_ =	sdelay $0x1  }
0xf3: {  	v4 =	vadd.f32 v5, v4;
	_ =	sdelay $0x1  }
0xf4: {  	[tilespmem:s20+$0x1C0D0] =	vst v4;
	v4 =	vld [tilespmem:s20+$0x160E0]  }
0xf5: {  	v5 =	vld [tilespmem:s22+$0x15CE0]  }
0xf6: {  	v6 =	vld [tilespmem:s23+$0x15CE0]  }
0xf7: {  	v7 =	vld [tilespmem:s24+$0x15CE0]  }
0xf8: {  	v8 =	vld [tilespmem:s25+$0x15CE0]  }
0xf9: {  	v9 =	vld [tilespmem:s26+$0x15CE0]  }
0xfa: {  	v4 =	vadd.f32 v5, v4;
	_ =	sdelay $0x1  }
0xfb: {  	v4 =	vadd.f32 v6, v4;
	_ =	sdelay $0x1  }
0xfc: {  	v4 =	vadd.f32 v7, v4;
	_ =	sdelay $0x1  }
0xfd: {  	v4 =	vadd.f32 v8, v4;
	_ =	sdelay $0x1  }
0xfe: {  	v4 =	vadd.f32 v9, v4;
	_ =	sdelay $0x1  }
0xff: {  	[tilespmem:s20+$0x1C0E0] =	vst v4;
	v4 =	vld [tilespmem:s20+$0x160F0]  }
0x100: {  	v5 =	vld [tilespmem:s22+$0x15CF0]  }
0x101: {  	v6 =	vld [tilespmem:s23+$0x15CF0]  }
0x102: {  	s22 =	sand.u32 $0x800, s28;
	s23 =	sand.u32 $0x380, s19;
	v7 =	vld [tilespmem:s24+$0x15CF0]  }
0x103: {  	s22 =	sor.u32 s23, s22;
	v8 =	vld [tilespmem:s25+$0x15CF0]  }
0x104: {  	v9 =	vld [tilespmem:s22+$0x19CF0]  }
0x105: {  	v5 =	vadd.f32 v5, v4;
	v10 =	vld [tilespmem:s26+$0x15CF0]  }
0x106: {  	v11 =	vld [tilespmem:s22+$0x18C80]  }
0x107: {  	v4 =	vld [tilespmem:s22+$0x18CD0];
	v5 =	vadd.f32 v6, v5  }
0x108: {  	v6 =	vld [tilespmem:s22+$0x18CF0]  }
0x109: {  	v12 =	vld [tilespmem:s22+$0x17CF0];
	v5 =	vadd.f32 v7, v5  }
0x10a: {  	v7 =	vld [tilespmem:s22+$0x1ACB0]  }
0x10b: {  	v13 =	vld [tilespmem:s22+$0x15CF0];
	v5 =	vadd.f32 v8, v5  }
0x10c: {  	v8 =	vld [tilespmem:s22+$0x18CB0]  }
0x10d: {  	v14 =	vld [tilespmem:s22+$0x16CF0];
	v5 =	vadd.f32 v10, v5  }
0x10e: {  	v10 =	vld [tilespmem:s22+$0x19CB0]  }
0x10f: {  	v15 =	vld [tilespmem:s22+$0x17CB0];
	[tilespmem:s20+$0x1C0F0] =	vst v5;
	s20 =	smov.u32 s22  }
0x110: {  	v5 =	vld [tilespmem:s20+$0x1ACC0]  }
0x111: {  	v16 =	vld [tilespmem:s20+$0x18C90]  }
0x112: {  	v17 =	vld [tilespmem:s20+$0x19CC0]  }
0x113: {  	v18 =	vld [tilespmem:s20+$0x17CD0]  }
0x114: {  	v19 =	vld [tilespmem:s20+$0x17CE0]  }
0x115: {  	v20 =	vld [tilespmem:s20+$0x16CB0]  }
0x116: {  	v21 =	vld [tilespmem:s20+$0x18CA0]  }
0x117: {  	v22 =	vld [tilespmem:s20+$0x15CB0]  }
0x118: {  	v23 =	vld [tilespmem:s20+$0x18CC0]  }
0x119: {  	v24 =	vld [tilespmem:s20+$0x17CC0]  }
0x11a: {  	v25 =	vld [tilespmem:s20+$0x16CC0]  }
0x11b: {  	v26 =	vld [tilespmem:s20+$0x17C80]  }
0x11c: {  	v27 =	vld [tilespmem:s20+$0x15CC0]  }
0x11d: {  	v20 =	vadd.f32 v20, v22;
	v28 =	vld [tilespmem:s20+$0x17CA0]  }
0x11e: {  	v22 =	vld [tilespmem:s20+$0x16CA0]  }
0x11f: {  	v29 =	vld [tilespmem:s20+$0x17C90]  }
0x120: {  	v15 =	vadd.f32 v15, v20;
	v20 =	vld [tilespmem:s20+$0x16CE0]  }
0x121: {  	v25 =	vadd.f32 v25, v27;
	v27 =	vld [tilespmem:s20+$0x16CD0]  }
0x122: {  	v8 =	vadd.f32 v8, v15;
	v30 =	vld [tilespmem:s20+$0x15CA0]  }
0x123: {  	v15 =	vld [tilespmem:s20+$0x16C90];
	v24 =	vadd.f32 v24, v25  }
0x124: {  	v8 =	vadd.f32 v10, v8;
	v25 =	vld [tilespmem:s20+$0x15C90]  }
0x125: {  	v10 =	vld [tilespmem:s20+$0x15C80];
	v23 =	vadd.f32 v23, v24  }
0x126: {  	v7 =	vadd.f32 v7, v8;
	v24 =	vld [tilespmem:s20+$0x16C80]  }
0x127: {  	v13 =	vadd.f32 v14, v13;
	v8 =	vadd.f32 v17, v23;
	v17 =	vld [tilespmem:s20+$0x15CD0]  }
0x128: {  	v14 =	vadd.f32 v22, v30;
	v22 =	vld [tilespmem:s20+$0x15CE0]  }
0x129: {  	v23 =	vld [tilespmem:s20+$0x19C80];
	v15 =	vadd.f32 v15, v25;
	[tilespmem:s20+$0x1BCB0] =	vst v7;
	v7 =	vadd.f32 v12, v13  }
0x12a: {  	v12 =	vadd.f32 v28, v14;
	v13 =	vld [tilespmem:s20+$0x1ACF0]  }
0x12b: {  	v14 =	vld [tilespmem:s20+$0x1AC80];
	v6 =	vadd.f32 v6, v7  }
0x12c: {  	v7 =	vadd.f32 v21, v12;
	v12 =	vld [tilespmem:s20+$0x19CA0]  }
0x12d: {  	v15 =	vadd.f32 v29, v15;
	v21 =	vld [tilespmem:s20+$0x19C90];
	v6 =	vadd.f32 v9, v6  }
0x12e: {  	v9 =	vadd.f32 v24, v10;
	v20 =	vadd.f32 v20, v22;
	v10 =	vld [tilespmem:s20+$0x1ACA0]  }
0x12f: {  	v17 =	vadd.f32 v27, v17;
	v22 =	vld [tilespmem:s20+$0x1AC90];
	v6 =	vadd.f32 v13, v6  }
0x130: {  	v9 =	vadd.f32 v26, v9;
	v13 =	vadd.f32 v16, v15;
	v15 =	vld [tilespmem:s20+$0x18CE0]  }
0x131: {  	v16 =	vadd.f32 v19, v20;
	v7 =	vadd.f32 v12, v7;
	v12 =	vld [tilespmem:s20+$0x19CD0]  }
0x132: {  	v17 =	vadd.f32 v18, v17;
	v13 =	vadd.f32 v21, v13;
	v18 =	vld [tilespmem:s20+$0x19CE0];
	[tilespmem:s20+$0x1BCF0] =	vst v6  }
0x133: {  	v6 =	vadd.f32 v11, v9;
	v7 =	vadd.f32 v10, v7;
	v9 =	vld [tilespmem:s20+$0x1ACD0]  }
0x134: {  	v4 =	vadd.f32 v4, v17;
	v10 =	vadd.f32 v22, v13;
	v11 =	vld [tilespmem:s20+$0x1ACE0]  }
0x135: {  	v6 =	vadd.f32 v23, v6;
	v13 =	vadd.f32 v15, v16  }
0x136: {  	v5 =	vadd.f32 v5, v8;
	[tilespmem:s20+$0x1BC90] =	vst v10;
	v4 =	vadd.f32 v12, v4  }
0x137: {  	v6 =	vadd.f32 v14, v6;
	[tilespmem:s20+$0x1BCA0] =	vst v7;
	v7 =	vadd.f32 v18, v13  }
0x138: {  	v4 =	vadd.f32 v9, v4  }
0x139: {  	[tilespmem:s20+$0x1BCC0] =	vst v5;
	v5 =	vadd.f32 v11, v7  }
0x13a: {  	s22 =	sand.u32 $0xFFFFF800, s28;
	[tilespmem:s20+$0x1BCD0] =	vst v4  }
0x13b: {  	s26 =	sadd.s32 s22, s19;
	[tilespmem:s20+$0x1BCE0] =	vst v5  }
0x13c: {  	s22 =	sor.u32 $0x1400, s26;
	[tilespmem:s20+$0x1BC80] =	vst v6;
	v4 =	vld [tilespmem:s20+$0x16080]  }
0x13d: {  	s23 =	sor.u32 $0x2400, s26;
	v5 =	vld [tilespmem:s22+$0x15C80]  }
0x13e: {  	v6 =	vld [tilespmem:s23+$0x15C80];
	_ =	sdelay $0x1  }
0x13f: {  	s24 =	sor.u32 $0x3400, s26  }
0x140: {  	v7 =	vld [tilespmem:s24+$0x15C80]  }
0x141: {  	s25 =	sor.u32 $0x4400, s26;
	v4 =	vadd.f32 v5, v4  }
0x142: {  	v5 =	vld [tilespmem:s25+$0x15C80]  }
0x143: {  	s26 =	sor.u32 $0x5400, s26;
	v4 =	vadd.f32 v6, v4  }
0x144: {  	v6 =	vld [tilespmem:s26+$0x15C80]  }
0x145: {  	v4 =	vadd.f32 v7, v4;
	_ =	sdelay $0x1  }
0x146: {  	v4 =	vadd.f32 v5, v4;
	_ =	sdelay $0x1  }
0x147: {  	v4 =	vadd.f32 v6, v4;
	_ =	sdelay $0x1  }
0x148: {  	[tilespmem:s20+$0x1C080] =	vst v4;
	v4 =	vld [tilespmem:s20+$0x16090]  }
0x149: {  	v5 =	vld [tilespmem:s22+$0x15C90]  }
0x14a: {  	v6 =	vld [tilespmem:s23+$0x15C90]  }
0x14b: {  	v7 =	vld [tilespmem:s25+$0x15C90]  }
0x14c: {  	v8 =	vld [tilespmem:s26+$0x15C90]  }
0x14d: {  	v9 =	vld [tilespmem:s24+$0x15C90]  }
0x14e: {  	v4 =	vadd.f32 v5, v4;
	_ =	sdelay $0x1  }
0x14f: {  	v4 =	vadd.f32 v6, v4;
	_ =	sdelay $0x1  }
0x150: {  	v4 =	vadd.f32 v9, v4;
	_ =	sdelay $0x1  }
0x151: {  	v4 =	vadd.f32 v7, v4;
	_ =	sdelay $0x1  }
0x152: {  	v4 =	vadd.f32 v8, v4;
	_ =	sdelay $0x1  }
0x153: {  	[tilespmem:s20+$0x1C090] =	vst v4;
	v4 =	vld [tilespmem:s20+$0x160A0]  }
0x154: {  	v5 =	vld [tilespmem:s22+$0x15CA0]  }
0x155: {  	v6 =	vld [tilespmem:s23+$0x15CA0]  }
0x156: {  	v7 =	vld [tilespmem:s24+$0x15CA0]  }
0x157: {  	v8 =	vld [tilespmem:s25+$0x15CA0]  }
0x158: {  	v9 =	vld [tilespmem:s26+$0x15CA0]  }
0x159: {  	v4 =	vadd.f32 v5, v4;
	_ =	sdelay $0x1  }
0x15a: {  	v4 =	vadd.f32 v6, v4;
	_ =	sdelay $0x1  }
0x15b: {  	v4 =	vadd.f32 v7, v4;
	_ =	sdelay $0x1  }
0x15c: {  	v4 =	vadd.f32 v8, v4;
	_ =	sdelay $0x1  }
0x15d: {  	v4 =	vadd.f32 v9, v4;
	_ =	sdelay $0x1  }
0x15e: {  	[tilespmem:s20+$0x1C0A0] =	vst v4;
	v4 =	vld [tilespmem:s20+$0x160B0]  }
0x15f: {  	v5 =	vld [tilespmem:s22+$0x15CB0]  }
0x160: {  	v6 =	vld [tilespmem:s23+$0x15CB0]  }
0x161: {  	v7 =	vld [tilespmem:s24+$0x15CB0]  }
0x162: {  	v8 =	vld [tilespmem:s25+$0x15CB0]  }
0x163: {  	v9 =	vld [tilespmem:s26+$0x15CB0]  }
0x164: {  	v4 =	vadd.f32 v5, v4;
	_ =	sdelay $0x1  }
0x165: {  	v4 =	vadd.f32 v6, v4;
	_ =	sdelay $0x1  }
0x166: {  	v4 =	vadd.f32 v7, v4;
	_ =	sdelay $0x1  }
0x167: {  	v4 =	vadd.f32 v8, v4;
	_ =	sdelay $0x1  }
0x168: {  	v4 =	vadd.f32 v9, v4;
	_ =	sdelay $0x1  }
0x169: {  	[tilespmem:s20+$0x1C0B0] =	vst v4;
	v4 =	vld [tilespmem:s20+$0x160C0]  }
0x16a: {  	v5 =	vld [tilespmem:s22+$0x15CC0]  }
0x16b: {  	v6 =	vld [tilespmem:s24+$0x15CC0]  }
0x16c: {  	v7 =	vld [tilespmem:s23+$0x15CC0]  }
0x16d: {  	v8 =	vld [tilespmem:s25+$0x15CC0]  }
0x16e: {  	v9 =	vld [tilespmem:s26+$0x15CC0]  }
0x16f: {  	v4 =	vadd.f32 v5, v4;
	_ =	sdelay $0x1  }
0x170: {  	v4 =	vadd.f32 v7, v4;
	_ =	sdelay $0x1  }
0x171: {  	v4 =	vadd.f32 v6, v4;
	_ =	sdelay $0x1  }
0x172: {  	v4 =	vadd.f32 v8, v4;
	_ =	sdelay $0x1  }
0x173: {  	v4 =	vadd.f32 v9, v4;
	_ =	sdelay $0x1  }
0x174: {  	[tilespmem:s20+$0x1C0C0] =	vst v4;
	v8 =	vld [tilespmem:s20+$0x160D0]  }
0x175: {  	v9 =	vld [tilespmem:s22+$0x15CD0]  }
.Ltmp0:
0x176: {  	v7 =	vld [tilespmem:s23+$0x15CD0];
	(pc) =	sbr.rel @p0 .LBB2_3-.Ltmp0, $4  }
0x177: {  	v6 =	vld [tilespmem:s24+$0x15CD0]  }
0x178: {  	v4 =	vld [tilespmem:s25+$0x15CD0]  }
0x179: {  	v5 =	vld [tilespmem:s26+$0x15CD0]  }
0x17a: {  	v8 =	vadd.f32 v9, v8  }
0x17b: {  	_ = 	snop  }
0x17c: {  	v7 =	vadd.f32 v7, v8;
	_ =	sdelay $0x1  }
0x17d: {  	v6 =	vadd.f32 v6, v7;
	_ =	sdelay $0x1  }
0x17e: {  	v4 =	vadd.f32 v4, v6;
	_ =	sdelay $0x1  }
0x17f: {  	v4 =	vadd.f32 v5, v4;
	_ =	sdelay $0x1  }
0x180: {  	[tilespmem:s20+$0x1C0D0] =	vst v4;
	v4 =	vld [tilespmem:s20+$0x160E0]  }
0x181: {  	v5 =	vld [tilespmem:s22+$0x15CE0];
	_ =	sdelay $0x1  }
0x182: {  	v58 =	vld [tilespmem:s23+$0x15CE0];
	_ =	sdelay $0x1  }
0x183: {  	v59 =	vld [tilespmem:s24+$0x15CE0]  }
0x184: {  	v4 =	vadd.f32 v5, v4  }
0x185: {  	v5 =	vld [tilespmem:s25+$0x15CE0]  }
0x186: {  	v4 =	vadd.f32 v58, v4  }
0x187: {  	v60 =	vld [tilespmem:s26+$0x15CE0]  }
0x188: {  	v4 =	vadd.f32 v59, v4;
	_ =	sdelay $0x1  }
0x189: {  	v4 =	vadd.f32 v5, v4;
	_ =	sdelay $0x1  }
0x18a: {  	v4 =	vadd.f32 v60, v4;
	_ =	sdelay $0x1  }
0x18b: {  	[tilespmem:s20+$0x1C0E0] =	vst v4;
	v4 =	vld [tilespmem:s20+$0x160F0]  }
0x18c: {  	v5 =	vld [tilespmem:s22+$0x15CF0];
	_ =	sdelay $0x1  }
0x18d: {  	v61 =	vld [tilespmem:s23+$0x15CF0];
	_ =	sdelay $0x1  }
0x18e: {  	v62 =	vld [tilespmem:s24+$0x15CF0]  }
0x18f: {  	v4 =	vadd.f32 v5, v4  }
0x190: {  	v5 =	vld [tilespmem:s25+$0x15CF0]  }
0x191: {  	v4 =	vadd.f32 v61, v4  }
0x192: {  	v63 =	vld [tilespmem:s26+$0x15CF0]  }
0x193: {  	v4 =	vadd.f32 v62, v4;
	_ =	sdelay $0x1  }
0x194: {  	v4 =	vadd.f32 v5, v4;
	_ =	sdelay $0x1  }
0x195: {  	s3 =	sadd.s32 $0x1, s3;
	v4 =	vadd.f32 v63, v4  }
0x196: {  	s2 =	sshll.u32 s2, $0x5;
	s19 =	rddreg [dreg:$0x2];
	p0 =	sne.s32 s3, $0x5  }
.Ltmp1:
0x197: {  	s2 =	sadd.s32 s19, s2;
	[tilespmem:s20+$0x1C0F0] =	vst v4;
	(pc) =	sbr.rel @p0 .LBB2_2-.Ltmp1, $4  }
0x198: {  	[hbm4b:s2+s4] =	stream.linear.scatter [tilespmem:s0], [sflag:$0x3], $0x1000, $0x38;
	[tilespmem:$0x1CC80] =	vst v63  }
0x199: {  	_ =	swait.ge [sflag:s17], $0x1000  }
0x19a: {  	[sflag:s17] =	ssyncset.done $0x0  }
0x19b: {  	[sflag:s17] =	ssyncadd.s32 $0xFFFFF000  }
0x19c: {  	v4 =	vld [tilespmem:$0x0];
	_ =	sdelay $0x4  }
0x19d: {  	v4 =	vshll.u32 v4, $0x9  }
0x19e: {  	v4 =	vperm.xlane v4, v0;
	_ =	sdelay $0x4  }
0x19f: {  	s2 =	simm.s32 $0x0  }
0x1a0: {  	[tilespmem:s18], [sflag:$0x1] =	stream.indirect_vreg.gather [hbm4b:s7+s2], $0x200, v4, vm0, $0x38;
	[tilespmem:$0x1CC80] =	vst v63  }
0x1a1: {  	v4 =	vld [tilespmem:$0x10];
	_ =	sdelay $0x4  }
0x1a2: {  	v4 =	vshll.u32 v4, $0x9  }
0x1a3: {  	v4 =	vperm.xlane v4, v0;
	_ =	sdelay $0x5  }
0x1a4: {  	[tilespmem:s6], [sflag:$0x1] =	stream.indirect_vreg.gather [hbm4b:s7+s2], $0x200, v4, vm0, $0x38;
	[tilespmem:$0x1CC80] =	vst v63  }
0x1a5: {  	v4 =	vld [tilespmem:$0x20];
	_ =	sdelay $0x4  }
0x1a6: {  	v4 =	vshll.u32 v4, $0x9  }
0x1a7: {  	v4 =	vperm.xlane v4, v0;
	_ =	sdelay $0x5  }
0x1a8: {  	[tilespmem:s9], [sflag:$0x1] =	stream.indirect_vreg.gather [hbm4b:s7+s2], $0x200, v4, vm0, $0x38;
	[tilespmem:$0x1CC80] =	vst v63  }
0x1a9: {  	v4 =	vld [tilespmem:$0x30];
	_ =	sdelay $0x4  }
0x1aa: {  	v4 =	vshll.u32 v4, $0x9  }
0x1ab: {  	v4 =	vperm.xlane v4, v0;
	_ =	sdelay $0x5  }
0x1ac: {  	[tilespmem:s10], [sflag:$0x1] =	stream.indirect_vreg.gather [hbm4b:s7+s2], $0x200, v4, vm0, $0x38;
	[tilespmem:$0x1CC80] =	vst v63  }
0x1ad: {  	_ =	swait.ge [sflag:s1], $0x8000  }
0x1ae: {  	[sflag:s1] =	ssyncset.done $0x0  }
0x1af: {  	[sflag:s1] =	ssyncadd.s32 $0xFFFF8000  }
0x1b0: {  	v4 =	vld [tilespmem:$0x40];
	_ =	sdelay $0x4  }
0x1b1: {  	v4 =	vshll.u32 v4, $0x9  }
0x1b2: {  	v4 =	vperm.xlane v4, v0;
	_ =	sdelay $0x5  }
0x1b3: {  	[tilespmem:s12], [sflag:$0x1] =	stream.indirect_vreg.gather [hbm4b:s7+s2], $0x200, v4, vm0, $0x38;
	[tilespmem:$0x1CC80] =	vst v63  }
0x1b4: {  	v4 =	vld [tilespmem:$0x50];
	_ =	sdelay $0x4  }
0x1b5: {  	v4 =	vshll.u32 v4, $0x9  }
0x1b6: {  	v4 =	vperm.xlane v4, v0;
	_ =	sdelay $0x5  }
0x1b7: {  	[tilespmem:s13], [sflag:$0x1] =	stream.indirect_vreg.gather [hbm4b:s7+s2], $0x200, v4, vm0, $0x38;
	[tilespmem:$0x1CC80] =	vst v63  }
0x1b8: {  	v4 =	vld [tilespmem:$0x60];
	_ =	sdelay $0x4  }
0x1b9: {  	v4 =	vshll.u32 v4, $0x9  }
0x1ba: {  	v4 =	vperm.xlane v4, v0;
	_ =	sdelay $0x5  }
0x1bb: {  	[tilespmem:s14], [sflag:$0x1] =	stream.indirect_vreg.gather [hbm4b:s7+s2], $0x200, v4, vm0, $0x38;
	[tilespmem:$0x1CC80] =	vst v63  }
0x1bc: {  	v4 =	vld [tilespmem:$0x70];
	_ =	sdelay $0x4  }
0x1bd: {  	v4 =	vshll.u32 v4, $0x9  }
0x1be: {  	v4 =	vperm.xlane v4, v0;
	_ =	sdelay $0x5  }
0x1bf: {  	[tilespmem:s15], [sflag:$0x1] =	stream.indirect_vreg.gather [hbm4b:s7+s2], $0x200, v4, vm0, $0x38;
	[tilespmem:$0x1CC80] =	vst v63  }
0x1c0: {  	s3 =	rddreg [dreg:$0x7]  }
0x1c1: {  	[hbm4b:s3+s2] =	stream.linear.scatter [tilespmem:s18], [sflag:$0x2], $0x8000, $0x38;
	[tilespmem:$0x1CC80] =	vst v63  }
0x1c2: {  	_ =	swait.ge [sflag:s1], $0x8000  }
0x1c3: {  	[sflag:s1] =	ssyncset.done $0x0  }
0x1c4: {  	[sflag:s1] =	ssyncadd.s32 $0xFFFF8000  }
0x1c5: {  	_ =	swait.ge [sflag:s11], $0x8000  }
0x1c6: {  	[sflag:s11] =	ssyncset.done $0x0  }
0x1c7: {  	[sflag:s11] =	ssyncadd.s32 $0xFFFF8000  }
0x1c8: {  	v4 =	vld [tilespmem:$0x80];
	_ =	sdelay $0x4  }
0x1c9: {  	v4 =	vshll.u32 v4, $0x9  }
0x1ca: {  	v4 =	vperm.xlane v4, v0;
	_ =	sdelay $0x5  }
0x1cb: {  	[tilespmem:s18], [sflag:$0x1] =	stream.indirect_vreg.gather [hbm4b:s7+s2], $0x200, v4, vm0, $0x38;
	[tilespmem:$0x1CC80] =	vst v63  }
0x1cc: {  	v4 =	vld [tilespmem:$0x90];
	_ =	sdelay $0x4  }
0x1cd: {  	v4 =	vshll.u32 v4, $0x9  }
0x1ce: {  	v4 =	vperm.xlane v4, v0;
	_ =	sdelay $0x5  }
0x1cf: {  	[tilespmem:s6], [sflag:$0x1] =	stream.indirect_vreg.gather [hbm4b:s7+s2], $0x200, v4, vm0, $0x38;
	[tilespmem:$0x1CC80] =	vst v63  }
0x1d0: {  	v4 =	vld [tilespmem:$0xA0];
	_ =	sdelay $0x4  }
0x1d1: {  	v4 =	vshll.u32 v4, $0x9  }
0x1d2: {  	v4 =	vperm.xlane v4, v0;
	_ =	sdelay $0x5  }
0x1d3: {  	[tilespmem:s9], [sflag:$0x1] =	stream.indirect_vreg.gather [hbm4b:s7+s2], $0x200, v4, vm0, $0x38;
	[tilespmem:$0x1CC80] =	vst v63  }
0x1d4: {  	v4 =	vld [tilespmem:$0xB0];
	_ =	sdelay $0x4  }
0x1d5: {  	v4 =	vshll.u32 v4, $0x9  }
0x1d6: {  	v4 =	vperm.xlane v4, v0;
	_ =	sdelay $0x3  }
0x1d7: {  	s28 =	rddreg [dreg:$0x8]  }
0x1d8: {  	s19 =	rddreg [dreg:$0xb]  }
0x1d9: {  	[tilespmem:s10], [sflag:$0x1] =	stream.indirect_vreg.gather [hbm4b:s7+s2], $0x200, v4, vm0, $0x38;
	[tilespmem:$0x1CC80] =	vst v63  }
0x1da: {  	s3 =	simm.s32 $0x130;
	s21 =	rddreg [dreg:$0x1]  }
0x1db: {  	[hbm4b:s28+s2] =	stream.linear.scatter [tilespmem:s12], [sflag:$0x2], $0x8000, $0x38;
	[tilespmem:$0x1CC80] =	vst v63  }
.LBB2_6:
0x1dc: {  	_ =	swait.ge [sflag:s1], $0x8000  }
0x1dd: {  	[sflag:s1] =	ssyncset.done $0x0  }
0x1de: {  	[sflag:s1] =	ssyncadd.s32 $0xFFFF8000  }
0x1df: {  	_ =	swait.ge [sflag:s11], $0x8000  }
0x1e0: {  	[sflag:s11] =	ssyncset.done $0x0  }
0x1e1: {  	[sflag:s11] =	ssyncadd.s32 $0xFFFF8000  }
0x1e2: {  	v4 =	vld [tilespmem:s3+$0xFFFFFF90];
	_ =	sdelay $0x4  }
0x1e3: {  	v4 =	vshll.u32 v4, $0x9  }
0x1e4: {  	v4 =	vperm.xlane v4, v0;
	_ =	sdelay $0x5  }
0x1e5: {  	[tilespmem:s12], [sflag:$0x1] =	stream.indirect_vreg.gather [hbm4b:s7+s4], $0x200, v4, vm0, $0x38;
	[tilespmem:$0x1CC80] =	vst v63  }
0x1e6: {  	v4 =	vld [tilespmem:s3+$0xFFFFFFA0];
	_ =	sdelay $0x4  }
0x1e7: {  	v4 =	vshll.u32 v4, $0x9  }
0x1e8: {  	v4 =	vperm.xlane v4, v0;
	_ =	sdelay $0x5  }
0x1e9: {  	[tilespmem:s13], [sflag:$0x1] =	stream.indirect_vreg.gather [hbm4b:s7+s4], $0x200, v4, vm0, $0x38;
	[tilespmem:$0x1CC80] =	vst v63  }
0x1ea: {  	v4 =	vld [tilespmem:s3+$0xFFFFFFB0];
	_ =	sdelay $0x4  }
0x1eb: {  	v4 =	vshll.u32 v4, $0x9  }
0x1ec: {  	v4 =	vperm.xlane v4, v0;
	_ =	sdelay $0x5  }
0x1ed: {  	[tilespmem:s14], [sflag:$0x1] =	stream.indirect_vreg.gather [hbm4b:s7+s4], $0x200, v4, vm0, $0x38;
	[tilespmem:$0x1CC80] =	vst v63  }
0x1ee: {  	v4 =	vld [tilespmem:s3+$0xFFFFFFC0];
	_ =	sdelay $0x4  }
0x1ef: {  	v4 =	vshll.u32 v4, $0x9  }
0x1f0: {  	v4 =	vperm.xlane v4, v0;
	_ =	sdelay $0x4  }
0x1f1: {  	s20 =	sshrl.u32 s19, $0x3  }
0x1f2: {  	[tilespmem:s15], [sflag:$0x1] =	stream.indirect_vreg.gather [hbm4b:s7+s4], $0x200, v4, vm0, $0x38;
	[tilespmem:$0x1CC80] =	vst v63  }
0x1f3: {  	s20 =	sadd.s32 s21, s20  }
0x1f4: {  	[hbm4b:s20+s4] =	stream.linear.scatter [tilespmem:s18], [sflag:$0x2], $0x8000, $0x38;
	[tilespmem:$0x1CC80] =	vst v63  }
0x1f5: {  	_ =	swait.ge [sflag:s1], $0x8000  }
0x1f6: {  	[sflag:s1] =	ssyncset.done $0x0  }
0x1f7: {  	[sflag:s1] =	ssyncadd.s32 $0xFFFF8000  }
0x1f8: {  	_ =	swait.ge [sflag:s11], $0x8000  }
0x1f9: {  	[sflag:s11] =	ssyncset.done $0x0  }
0x1fa: {  	[sflag:s11] =	ssyncadd.s32 $0xFFFF8000  }
0x1fb: {  	v4 =	vld [tilespmem:s3+$0xFFFFFFD0];
	_ =	sdelay $0x4  }
0x1fc: {  	v4 =	vshll.u32 v4, $0x9  }
0x1fd: {  	v4 =	vperm.xlane v4, v0;
	_ =	sdelay $0x5  }
0x1fe: {  	[tilespmem:s18], [sflag:$0x1] =	stream.indirect_vreg.gather [hbm4b:s7+s4], $0x200, v4, vm0, $0x38;
	[tilespmem:$0x1CC80] =	vst v63  }
0x1ff: {  	v4 =	vld [tilespmem:s3+$0xFFFFFFE0];
	_ =	sdelay $0x4  }
0x200: {  	v4 =	vshll.u32 v4, $0x9  }
0x201: {  	v4 =	vperm.xlane v4, v0;
	_ =	sdelay $0x5  }
0x202: {  	[tilespmem:s6], [sflag:$0x1] =	stream.indirect_vreg.gather [hbm4b:s7+s4], $0x200, v4, vm0, $0x38;
	[tilespmem:$0x1CC80] =	vst v63  }
0x203: {  	v4 =	vld [tilespmem:s3+$0xFFFFFFF0];
	_ =	sdelay $0x4  }
0x204: {  	v4 =	vshll.u32 v4, $0x9  }
0x205: {  	v4 =	vperm.xlane v4, v0;
	_ =	sdelay $0x5  }
0x206: {  	[tilespmem:s9], [sflag:$0x1] =	stream.indirect_vreg.gather [hbm4b:s7+s4], $0x200, v4, vm0, $0x38;
	[tilespmem:$0x1CC80] =	vst v63  }
0x207: {  	v4 =	vld [tilespmem:s3+$0x0];
	_ =	sdelay $0x4  }
0x208: {  	v4 =	vshll.u32 v4, $0x9  }
0x209: {  	v4 =	vperm.xlane v4, v0;
	_ =	sdelay $0x2  }
0x20a: {  	p0 =	sne.s32 s2, $0x2C000  }
.Ltmp2:
0x20b: {  	_ = 	snop;
	(pc) =	sbr.rel @p0 .LBB2_6-.Ltmp2, $4  }
0x20c: {  	s28 =	sadd.s32 s2, s16  }
0x20d: {  	[tilespmem:s10], [sflag:$0x1] =	stream.indirect_vreg.gather [hbm4b:s7+s4], $0x200, v4, vm0, $0x38;
	[tilespmem:$0x1CC80] =	vst v63  }
0x20e: {  	s19 =	sadd.s32 $0x10000, s19;
	s2 =	sadd.s32 $0x2000, s2;
	s3 =	sadd.s32 $0x80, s3  }
0x20f: {  	[hbm4b:s28+s4] =	stream.linear.scatter [tilespmem:s12], [sflag:$0x2], $0x8000, $0x38;
	[tilespmem:$0x1CC80] =	vst v63  }
0x210: {  	_ =	swait.ge [sflag:s1], $0x8000  }
0x211: {  	[sflag:s1] =	ssyncset.done $0x0  }
0x212: {  	[sflag:s1] =	ssyncadd.s32 $0xFFFF8000  }
0x213: {  	_ =	swait.ge [sflag:s11], $0x8000  }
0x214: {  	[sflag:s11] =	ssyncset.done $0x0  }
0x215: {  	[sflag:s11] =	ssyncadd.s32 $0xFFFF8000  }
0x216: {  	v4 =	vld [tilespmem:$0xC40];
	_ =	sdelay $0x4  }
0x217: {  	v4 =	vshll.u32 v4, $0x9  }
0x218: {  	v4 =	vperm.xlane v4, v0;
	_ =	sdelay $0x5  }
0x219: {  	[tilespmem:s12], [sflag:$0x1] =	stream.indirect_vreg.gather [hbm4b:s7+s4], $0x200, v4, vm0, $0x38;
	[tilespmem:$0x1CC80] =	vst v63  }
0x21a: {  	v4 =	vld [tilespmem:$0xC50];
	_ =	sdelay $0x4  }
0x21b: {  	v4 =	vshll.u32 v4, $0x9  }
0x21c: {  	v4 =	vperm.xlane v4, v0;
	_ =	sdelay $0x5  }
0x21d: {  	[tilespmem:s13], [sflag:$0x1] =	stream.indirect_vreg.gather [hbm4b:s7+s4], $0x200, v4, vm0, $0x38;
	[tilespmem:$0x1CC80] =	vst v63  }
0x21e: {  	v4 =	vld [tilespmem:$0xC60];
	_ =	sdelay $0x4  }
0x21f: {  	v4 =	vshll.u32 v4, $0x9  }
0x220: {  	v4 =	vperm.xlane v4, v0;
	_ =	sdelay $0x5  }
0x221: {  	[tilespmem:s14], [sflag:$0x1] =	stream.indirect_vreg.gather [hbm4b:s7+s4], $0x200, v4, vm0, $0x38;
	[tilespmem:$0x1CC80] =	vst v63  }
0x222: {  	v4 =	vld [tilespmem:$0xC70];
	_ =	sdelay $0x4  }
0x223: {  	v4 =	vshll.u32 v4, $0x9  }
0x224: {  	v4 =	vperm.xlane v4, v0;
	_ =	sdelay $0x5  }
0x225: {  	[tilespmem:s15], [sflag:$0x1] =	stream.indirect_vreg.gather [hbm4b:s7+s4], $0x200, v4, vm0, $0x38;
	[tilespmem:$0x1CC80] =	vst v63  }
0x226: {  	s2 =	rddreg [dreg:$0x9]  }
0x227: {  	[hbm4b:s2+s4] =	stream.linear.scatter [tilespmem:s18], [sflag:$0x2], $0x8000, $0x38;
	[tilespmem:$0x1CC80] =	vst v63  }
0x228: {  	_ =	swait.ge [sflag:s1], $0x8000  }
0x229: {  	[sflag:s1] =	ssyncset.done $0x0  }
0x22a: {  	[sflag:s1] =	ssyncadd.s32 $0xFFFF8000  }
0x22b: {  	_ =	swait.ge [sflag:s11], $0x8000  }
0x22c: {  	[sflag:s11] =	ssyncset.done $0x0  }
0x22d: {  	s26 =	rddreg [dreg:$0xa];
	[sflag:s11] =	ssyncadd.s32 $0xFFFF8000  }
0x22e: {  	[hbm4b:s26+s4] =	stream.linear.scatter [tilespmem:s12], [sflag:$0x2], $0x8000, $0x38;
	[tilespmem:$0x1CC80] =	vst v63  }
0x22f: {  	_ =	swait.ge [sflag:s11], $0x8000  }
0x230: {  	s3 =	rddreg [dreg:$0xc]  }
0x231: {  	s28 =	rddreg [dreg:$0x6];
	s3 =	sadd.s32 $0x1, s3  }
0x232: {  	p0 =	sne.s32 s3, s28  }
.Ltmp3:
0x233: {  	_ = 	snop;
	(pc) =	sbr.rel @p0 .LBB2_1-.Ltmp3, $3  }
0x234: {  	_ =	sdelay $0x1  }
0x235: {  	[sflag:s11] =	ssyncset.done $0x0  }
0x236: {  	[sflag:s11] =	ssyncadd.s32 $0xFFFF8000  }
0x237: {  	_ =	sfence.sel $0x180000  }
0x238: {  	[bflag:$0x0] =	sbarrier.arrive $0xFFFF  }
0x239: {  	_ =	strace $0x90000047  }
0x23a: {  	s0 =	stileid.u32;
	[bflag:$0x2] =	sbarrier.arrive $0xFFFF  }
0x23b: {  	p0 =	sne.s32 s0, $0x0;
	s0 =	rddreg [dreg:$0x3]  }
0x23c: {  	s0 =	sadd.s32 @!p0 $0x100000, s0  }
0x23d: {  	[sflag:s0] =	ssyncadd.tile.s32 @!p0 $0x1;
	_ =	shalt  }
.Lfunc_end2:
_tile_overlayer_lowered:
.L_overlay_start_2:
0x23e: {  	(tag) =	ssettag $0x2  }
0x23f: {  	s0 =	rddreg [dreg:$0x0];
	s2 =	stileid.u32  }
0x240: {  	s1 =	rddreg [dreg:$0x1];
	p0 =	sne.s32 s2, $0x0  }
0x241: {  	s3 =	rddreg [dreg:$0x2];
	[bflag:$0x3] =	sbarrier.arrive $0xFFFF;
	s2 =	simm.s32 @!p0 $0x1C03  }
0x242: {  	[timem:s3], [sflag:s2] =	dma.local @!p0 [hbm:s0], s1  }
0x243: {  	s0 =	simm.s32 @!p0 $0x3  }
0x244: {  	_ =	swait.ge @!p0 [sflag:s0], s1  }
0x245: {  	s1 =	ssub.s32 @!p0 $0x0, s1;
	[sflag:s0] =	ssyncset.done @!p0 $0x0  }
0x246: {  	[sflag:s0] =	ssyncadd.s32 @!p0 s1  }
0x247: {  	[bflag:$0x3] =	sbarrier.arrive $0xFFFF  }
0x248: {  	_ =	shalt  }

</sc_bundles>
